<compile_context>
chip_gen: v7x
topology: tpu7x:2x2x1
jax: 0.10.2.dev20260603
libtpu: 0.0.44.dev20260713+nightly
codegen_flags: <defaults>
</compile_context>

<pallas_src>
import functools

import jax
import jax.numpy as jnp
from jax import lax
from jax.experimental import pallas as pl
from jax.experimental.pallas import tpu as pltpu
from jax.experimental.pallas import tpu_sc as plsc

N = 10000
D = 256
HALF = 128
OUT_D = 128

NC = 2
NS = 16
LANES = 16

CHUNK = 128
NPHASES = 3
PHASE_N = 3584
N_PAD = NPHASES * PHASE_N
ACC_ROWS = 3592
ZROWS = PHASE_N // NS
OROWS = PHASE_N // NS
TRASH_DST = N


def _make_agg_kernel(e_pad: int, with_cnt: bool):
    ept = e_pad // NS
    iters = ept // CHUNK

    out_type = [jax.ShapeDtypeStruct((NC, N_PAD, HALF), jnp.float32)]
    if with_cnt:
        out_type.append(jax.ShapeDtypeStruct((N_PAD, HALF), jnp.float32))

    scratch_types = [
        pltpu.VMEM_SHARED((ACC_ROWS, HALF), jnp.float32),
        pltpu.VMEM((ZROWS, HALF), jnp.float32),
        pltpu.VMEM((CHUNK, HALF), jnp.float32),
        pltpu.VMEM((2 * CHUNK,), jnp.int32),
        pltpu.VMEM((CHUNK,), jnp.int32),
        pltpu.VMEM((CHUNK,), jnp.int32),
        pltpu.VMEM((CHUNK, HALF), jnp.float32),
        pltpu.SemaphoreType.DMA,
    ]

    mesh = plsc.VectorSubcoreMesh(core_axis_name="c", subcore_axis_name="s")

    @functools.partial(
        pl.kernel, mesh=mesh, out_type=out_type, scratch_types=scratch_types)
    def agg(*refs):
        if with_cnt:
            (xi, sdp, agg_out, cnt_out,
             acc, zbuf, onesb, sdb, srcbA, dstbA, rowsA, semGA) = refs
        else:
            (xi, sdp, agg_out,
             acc, zbuf, onesb, sdb, srcbA, dstbA, rowsA, semGA) = refs
            cnt_out = None

        c = lax.axis_index("c")
        s = lax.axis_index("s")
        ebase = s * ept

        zero16 = jnp.zeros((LANES,), jnp.float32)
        one16 = jnp.ones((LANES,), jnp.float32)

        def zrow(i, _):
            for j in range(HALF // LANES):
                zbuf[i, pl.ds(j * LANES, LANES)] = zero16
            return 0

        lax.fori_loop(0, ZROWS, zrow, 0)

        if with_cnt:
            def orow(i, _):
                for j in range(HALF // LANES):
                    onesb[i, pl.ds(j * LANES, LANES)] = one16
                return 0
            lax.fori_loop(0, CHUNK, orow, 0)

        zrows = pl.ds(pl.multiple_of(s * ZROWS, 8), ZROWS)
        orows = pl.ds(pl.multiple_of(s * OROWS, 8), OROWS)

        def xform_src(buf):
            for j in range(CHUNK // LANES):
                sl = pl.ds(j * LANES, LANES)
                buf[sl] = buf[sl] * 2 + c

        def remap_dst(buf, pbase):
            for j in range(CHUNK // LANES):
                sl = pl.ds(j * LANES, LANES)
                t = buf[sl] - pbase
                ok = jnp.logical_and(t >= 0, t < PHASE_N)
                buf[sl] = jnp.where(ok, t, PHASE_N)

        def off1(i):
            return pl.ds(pl.multiple_of(ebase + i * CHUNK, CHUNK), CHUNK)

        def phase_body(phase, _):
            pltpu.sync_copy(zbuf, acc.at[zrows])
            plsc.subcore_barrier()

            pbase = phase * PHASE_N

            def step(i, _):
                off = pl.multiple_of(2 * (ebase + i * CHUNK), 2 * CHUNK)
                pltpu.sync_copy(sdp.at[pl.ds(off, 2 * CHUNK)], sdb)
                for j in range(CHUNK // LANES):
                    sl = pl.ds(j * LANES, LANES)
                    srcbA[sl] = sdb[sl] * 2 + c
                    t = sdb[pl.ds(CHUNK + j * LANES, LANES)] - pbase
                    ok = jnp.logical_and(t >= 0, t < PHASE_N)
                    dstbA[sl] = jnp.where(ok, t, PHASE_N)
                pltpu.async_copy(xi.at[srcbA], rowsA, semGA).wait()
                pltpu.sync_copy(rowsA, acc.at[dstbA], add=True)
                return 0

            lax.fori_loop(0, iters, step, 0)
            plsc.subcore_barrier()

            out_rows = pl.ds(pl.multiple_of(pbase + s * OROWS, 8), OROWS)
            pltpu.sync_copy(acc.at[orows], agg_out.at[c, out_rows])
            plsc.subcore_barrier()
            return 0

        lax.fori_loop(0, NPHASES, phase_body, 0)

        if with_cnt:
            def cnt_phase(k, _):
                p = 2 * k + c

                @pl.when(p < NPHASES)
                def _():
                    pltpu.sync_copy(zbuf, acc.at[zrows])
                    plsc.subcore_barrier()
                    pbase = p * PHASE_N

                    def cstep(i, _):
                        off = pl.multiple_of(
                            2 * (ebase + i * CHUNK) + CHUNK, CHUNK)
                        pltpu.sync_copy(sdp.at[pl.ds(off, CHUNK)], dstbA)
                        remap_dst(dstbA, pbase)
                        pltpu.sync_copy(onesb, acc.at[dstbA], add=True)
                        return 0

                    lax.fori_loop(0, iters, cstep, 0)
                    plsc.subcore_barrier()
                    out_rows = pl.ds(
                        pl.multiple_of(pbase + s * OROWS, 8), OROWS)
                    pltpu.sync_copy(acc.at[orows], cnt_out.at[out_rows])
                    plsc.subcore_barrier()
                return 0

            lax.fori_loop(0, 2, cnt_phase, 0)

    return agg


def _tc_layer_body(a, cntr, xr, wl0, wl1, wr, br, o):
    rcp = 1.0 / jnp.maximum(cntr[:, 0:1], 1.0)
    dn = (((1,), (1,)), ((), ()))
    h = lax.dot_general(a[0] * rcp, wl0[...], dn,
                        preferred_element_type=jnp.float32)
    h = h + lax.dot_general(a[1] * rcp, wl1[...], dn,
                            preferred_element_type=jnp.float32)
    h = h + lax.dot_general(xr[...], wr[...], dn,
                            preferred_element_type=jnp.float32)
    o[...] = jnp.maximum(h + br[...], 0.0)


def _tc_final_body(a, cntr, xr, wl0, wl1, wr, br, wo, bo, o):
    rcp = 1.0 / jnp.maximum(cntr[:, 0:1], 1.0)
    dn = (((1,), (1,)), ((), ()))
    h = lax.dot_general(a[0] * rcp, wl0[...], dn,
                        preferred_element_type=jnp.float32)
    h = h + lax.dot_general(a[1] * rcp, wl1[...], dn,
                            preferred_element_type=jnp.float32)
    h = h + lax.dot_general(xr[...], wr[...], dn,
                            preferred_element_type=jnp.float32)
    h = jnp.maximum(h + br[...], 0.0)
    o[...] = lax.dot_general(h, wo[...], dn,
                             preferred_element_type=jnp.float32) + bo[...]


_ROW_BLK = 1000


def _tc_specs(out_cols):
    grid = (N // _ROW_BLK,)
    in_specs = [
        pl.BlockSpec((NC, _ROW_BLK, HALF), lambda i: (0, i, 0)),
        pl.BlockSpec((_ROW_BLK, HALF), lambda i: (i, 0)),
        pl.BlockSpec((_ROW_BLK, D), lambda i: (i, 0)),
        pl.BlockSpec((D, HALF), lambda i: (0, 0)),
        pl.BlockSpec((D, HALF), lambda i: (0, 0)),
        pl.BlockSpec((D, D), lambda i: (0, 0)),
        pl.BlockSpec((1, D), lambda i: (0, 0)),
    ]
    out_spec = pl.BlockSpec((_ROW_BLK, out_cols), lambda i: (i, 0))
    return grid, in_specs, out_spec


def _tc_layer(agg, cnt, xrows, W_l, b, W_r):
    grid, in_specs, out_spec = _tc_specs(D)
    return pl.pallas_call(
        _tc_layer_body,
        grid=grid,
        in_specs=in_specs,
        out_specs=out_spec,
        out_shape=jax.ShapeDtypeStruct((N, D), jnp.float32),
    )(agg, cnt, xrows, W_l[:, :HALF], W_l[:, HALF:], W_r, b.reshape(1, D))


def _tc_final(agg, cnt, xrows, W_l, b, W_r, W_out, b_out):
    grid, in_specs, out_spec = _tc_specs(OUT_D)
    in_specs = in_specs + [
        pl.BlockSpec((OUT_D, D), lambda i: (0, 0)),
        pl.BlockSpec((1, OUT_D), lambda i: (0, 0)),
    ]
    return pl.pallas_call(
        _tc_final_body,
        grid=grid,
        in_specs=in_specs,
        out_specs=out_spec,
        out_shape=jax.ShapeDtypeStruct((N, OUT_D), jnp.float32),
    )(agg, cnt, xrows, W_l[:, :HALF], W_l[:, HALF:], W_r, b.reshape(1, D),
      W_out, b_out.reshape(1, OUT_D))


def kernel(x, edge_index, W1_l, b1_l, W1_r, W2_l, b2_l, W2_r, W_out, b_out):
    e = edge_index.shape[1]
    e_pad = -(-e // (NS * CHUNK)) * (NS * CHUNK)
    src = edge_index[0].astype(jnp.int32)
    dst = edge_index[1].astype(jnp.int32)
    if e_pad != e:
        pad = e_pad - e
        src = jnp.concatenate([src, jnp.zeros((pad,), jnp.int32)])
        dst = jnp.concatenate([dst, jnp.full((pad,), TRASH_DST, jnp.int32)])
    sd = jnp.concatenate(
        [src.reshape(-1, CHUNK), dst.reshape(-1, CHUNK)], axis=1).reshape(-1)

    agg_cnt = _make_agg_kernel(e_pad, True)
    agg_nocnt = _make_agg_kernel(e_pad, False)

    xi = x.reshape(N, 2, HALF).reshape(2 * N, HALF)
    a, cnt = agg_cnt(xi, sd)
    h1 = _tc_layer(a, cnt, x, W1_l, b1_l, W1_r)

    h1i = h1.reshape(N, 2, HALF).reshape(2 * N, HALF)
    agg2 = agg_nocnt(h1i, sd)
    if isinstance(agg2, (list, tuple)):
        agg2 = agg2[0]
    return _tc_final(agg2, cnt, h1, W2_l, b2_l, W2_r, W_out, b_out)

# --- scband reference (transcript-rebuilt; emitter-appended) ---
"""Pipeline reference for scband-item-gnnencoder-9242769622174 (READ-ONLY COPY).

The authoritative reference and input builder live on the scoring server;
editing this copy changes nothing except your own understanding.
"""

import jax, jax.numpy as jnp
import numpy as np

N = 10000
E = 160000
D_IN = 256
HIDDEN = 256
OUT = 128


def setup_inputs(seed: int = 0) -> dict:
    key = jax.random.key(seed)
    ks = jax.random.split(key, 10)
    x = jax.random.normal(ks[0], (N, D_IN), dtype=jnp.float32)
    edge_index = jax.random.randint(ks[1], (2, E), 0, N, dtype=jnp.int64)
    s = 1.0 / np.sqrt(D_IN)
    sh = 1.0 / np.sqrt(HIDDEN)
    W1_l = jax.random.uniform(ks[2], (HIDDEN, D_IN), jnp.float32, -s, s)
    b1_l = jax.random.uniform(ks[3], (HIDDEN,), jnp.float32, -s, s)
    W1_r = jax.random.uniform(ks[4], (HIDDEN, D_IN), jnp.float32, -s, s)
    W2_l = jax.random.uniform(ks[5], (HIDDEN, HIDDEN), jnp.float32, -sh, sh)
    b2_l = jax.random.uniform(ks[6], (HIDDEN,), jnp.float32, -sh, sh)
    W2_r = jax.random.uniform(ks[7], (HIDDEN, HIDDEN), jnp.float32, -sh, sh)
    W_out = jax.random.uniform(ks[8], (OUT, HIDDEN), jnp.float32, -sh, sh)
    b_out = jax.random.uniform(ks[9], (OUT,), jnp.float32, -sh, sh)
    return {
        "x": x,
        "edge_index": edge_index,
        "W1_l": W1_l, "b1_l": b1_l, "W1_r": W1_r,
        "W2_l": W2_l, "b2_l": b2_l, "W2_r": W2_r,
        "W_out": W_out, "b_out": b_out,
    }


def _sage_conv(x, edge_index, W_l, b_l, W_r):
    # PyG SAGEConv with mean aggregation:
    # out = lin_l(mean_{j in N(i)} x_j) + lin_r(x_i)
    src = edge_index[0]
    dst = edge_index[1]
    msg = jnp.take(x, src, axis=0)
    agg = jax.ops.segment_sum(msg, dst, num_segments=x.shape[0])
    cnt = jax.ops.segment_sum(jnp.ones((edge_index.shape[1],), dtype=x.dtype), dst, num_segments=x.shape[0])
    mean = agg / jnp.clip(cnt, 1.0, None)[:, None]
    return mean @ W_l.T + b_l + x @ W_r.T


def reference(x, edge_index, W1_l, b1_l, W1_r, W2_l, b2_l, W2_r, W_out, b_out):
    h = jax.nn.relu(_sage_conv(x, edge_index, W1_l, b1_l, W1_r))
    h = jax.nn.relu(_sage_conv(h, edge_index, W2_l, b2_l, W2_r))
    return h @ W_out.T + b_out

if __name__ == "__main__":
    import jax
    _d = setup_inputs()
    print(jax.jit(kernel)(*tuple(_d.values())))

</pallas_src>

<mosaic_0001>
#map = affine_map<(d0, d1) -> (0, 0)>
#map1 = affine_map<(d0, d1) -> (0)>
#map2 = affine_map<(d0, d1) -> (0, 0, 0)>
module attributes {stable_mosaic.version = 14 : i64} {
  func.func @agg(%arg0: i32, %arg1: i32, %arg2: memref<20000x128xf32, #tpu.memory_space<hbm>>, %arg3: memref<323584xi32, #tpu.memory_space<hbm>>, %arg4: memref<2x10752x128xf32, #tpu.memory_space<hbm>>, %arg5: memref<10752x128xf32, #tpu.memory_space<hbm>>, %arg6: memref<3592x128xf32, #tpu.memory_space<vmem_shared>>, %arg7: memref<224x128xf32, #tpu.memory_space<vmem>>, %arg8: memref<128x128xf32, #tpu.memory_space<vmem>>, %arg9: memref<256xi32, #tpu.memory_space<vmem>>, %arg10: memref<128xi32, #tpu.memory_space<vmem>>, %arg11: memref<128xi32, #tpu.memory_space<vmem>>, %arg12: memref<128x128xf32, #tpu.memory_space<vmem>>, %arg13: memref<!tpu.dma_semaphore, #tpu.memory_space<semaphore_mem>>) attributes {dimension_semantics = [#tpu.dimension_semantics<core_parallel>, #tpu.dimension_semantics<subcore_parallel>], iteration_bounds = array<i64: 2, 16>, scalar_prefetch = 0 : i64, scratch_operands = 8 : i64, tpu.core_type = #tpu.core_type<sc_vector_subcore>, window_params = [{transform_indices = #map}, {transform_indices = #map1}, {transform_indices = #map2}, {transform_indices = #map}]} {
    %mul3A = arith.constant 10112 : i32
    %mul3A_0 = arith.muli %arg1, %mul3A : i32
    %broadcast_in_dim3A = arith.constant 0.000000e+00 : f32
    %broadcast_in_dim3A_1 = vector.broadcast %broadcast_in_dim3A : f32 to vector<16xf32>
    %broadcast_in_dim3A_2 = arith.constant 1.000000e+00 : f32
    %broadcast_in_dim3A_3 = vector.broadcast %broadcast_in_dim3A_2 : f32 to vector<16xf32>
    %scan3A = arith.constant 0 : i32
    %scan3A_4 = arith.constant 0 : i32
    %scan3A_5 = arith.constant 224 : i32
    %scan3A_6 = arith.addi %scan3A_4, %scan3A_5 : i32
    %scan3A_7 = arith.constant 1 : i32
    %scan3A_8 = scf.for %scan3A_36 = %scan3A_4 to %scan3A_6 step %scan3A_7 iter_args(%scan3A_37 = %scan3A) -> (i32)  : i32 {
      %swap3A = arith.index_cast %scan3A_36 : i32 to index
      %swap3A_38 = arith.constant 0 : index
      %swap3A_39 = tpu.vector_load %arg7[%swap3A, %swap3A_38] {strides = array<i32>} : memref<224x128xf32, #tpu.memory_space<vmem>>, vector<1x16xf32>,
      %swap3A_40 = vector.shape_cast %swap3A_39 : vector<1x16xf32> to vector<16xf32>
      %swap3A_41 = vector.shape_cast %broadcast_in_dim3A_1 : vector<16xf32> to vector<1x16xf32>
      tpu.vector_store %arg7[%swap3A, %swap3A_38], %swap3A_41 {strides = array<i32>} : memref<224x128xf32, #tpu.memory_space<vmem>>, vector<1x16xf32>,
      %swap3A_42 = arith.index_cast %scan3A_36 : i32 to index
      %swap3A_43 = arith.constant 16 : index
      %swap3A_44 = tpu.vector_load %arg7[%swap3A_42, %swap3A_43] {strides = array<i32>} : memref<224x128xf32, #tpu.memory_space<vmem>>, vector<1x16xf32>,
      %swap3A_45 = vector.shape_cast %swap3A_44 : vector<1x16xf32> to vector<16xf32>
      %swap3A_46 = vector.shape_cast %broadcast_in_dim3A_1 : vector<16xf32> to vector<1x16xf32>
      tpu.vector_store %arg7[%swap3A_42, %swap3A_43], %swap3A_46 {strides = array<i32>} : memref<224x128xf32, #tpu.memory_space<vmem>>, vector<1x16xf32>,
      %swap3A_47 = arith.index_cast %scan3A_36 : i32 to index
      %swap3A_48 = arith.constant 32 : index
      %swap3A_49 = tpu.vector_load %arg7[%swap3A_47, %swap3A_48] {strides = array<i32>} : memref<224x128xf32, #tpu.memory_space<vmem>>, vector<1x16xf32>,
      %swap3A_50 = vector.shape_cast %swap3A_49 : vector<1x16xf32> to vector<16xf32>
      %swap3A_51 = vector.shape_cast %broadcast_in_dim3A_1 : vector<16xf32> to vector<1x16xf32>
      tpu.vector_store %arg7[%swap3A_47, %swap3A_48], %swap3A_51 {strides = array<i32>} : memref<224x128xf32, #tpu.memory_space<vmem>>, vector<1x16xf32>,
      %swap3A_52 = arith.index_cast %scan3A_36 : i32 to index
      %swap3A_53 = arith.constant 48 : index
      %swap3A_54 = tpu.vector_load %arg7[%swap3A_52, %swap3A_53] {strides = array<i32>} : memref<224x128xf32, #tpu.memory_space<vmem>>, vector<1x16xf32>,
      %swap3A_55 = vector.shape_cast %swap3A_54 : vector<1x16xf32> to vector<16xf32>
      %swap3A_56 = vector.shape_cast %broadcast_in_dim3A_1 : vector<16xf32> to vector<1x16xf32>
      tpu.vector_store %arg7[%swap3A_52, %swap3A_53], %swap3A_56 {strides = array<i32>} : memref<224x128xf32, #tpu.memory_space<vmem>>, vector<1x16xf32>,
      %swap3A_57 = arith.index_cast %scan3A_36 : i32 to index
      %swap3A_58 = arith.constant 64 : index
      %swap3A_59 = tpu.vector_load %arg7[%swap3A_57, %swap3A_58] {strides = array<i32>} : memref<224x128xf32, #tpu.memory_space<vmem>>, vector<1x16xf32>,
      %swap3A_60 = vector.shape_cast %swap3A_59 : vector<1x16xf32> to vector<16xf32>
      %swap3A_61 = vector.shape_cast %broadcast_in_dim3A_1 : vector<16xf32> to vector<1x16xf32>
      tpu.vector_store %arg7[%swap3A_57, %swap3A_58], %swap3A_61 {strides = array<i32>} : memref<224x128xf32, #tpu.memory_space<vmem>>, vector<1x16xf32>,
      %swap3A_62 = arith.index_cast %scan3A_36 : i32 to index
      %swap3A_63 = arith.constant 80 : index
      %swap3A_64 = tpu.vector_load %arg7[%swap3A_62, %swap3A_63] {strides = array<i32>} : memref<224x128xf32, #tpu.memory_space<vmem>>, vector<1x16xf32>,
      %swap3A_65 = vector.shape_cast %swap3A_64 : vector<1x16xf32> to vector<16xf32>
      %swap3A_66 = vector.shape_cast %broadcast_in_dim3A_1 : vector<16xf32> to vector<1x16xf32>
      tpu.vector_store %arg7[%swap3A_62, %swap3A_63], %swap3A_66 {strides = array<i32>} : memref<224x128xf32, #tpu.memory_space<vmem>>, vector<1x16xf32>,
      %swap3A_67 = arith.index_cast %scan3A_36 : i32 to index
      %swap3A_68 = arith.constant 96 : index
      %swap3A_69 = tpu.vector_load %arg7[%swap3A_67, %swap3A_68] {strides = array<i32>} : memref<224x128xf32, #tpu.memory_space<vmem>>, vector<1x16xf32>,
      %swap3A_70 = vector.shape_cast %swap3A_69 : vector<1x16xf32> to vector<16xf32>
      %swap3A_71 = vector.shape_cast %broadcast_in_dim3A_1 : vector<16xf32> to vector<1x16xf32>
      tpu.vector_store %arg7[%swap3A_67, %swap3A_68], %swap3A_71 {strides = array<i32>} : memref<224x128xf32, #tpu.memory_space<vmem>>, vector<1x16xf32>,
      %swap3A_72 = arith.index_cast %scan3A_36 : i32 to index
      %swap3A_73 = arith.constant 112 : index
      %swap3A_74 = tpu.vector_load %arg7[%swap3A_72, %swap3A_73] {strides = array<i32>} : memref<224x128xf32, #tpu.memory_space<vmem>>, vector<1x16xf32>,
      %swap3A_75 = vector.shape_cast %swap3A_74 : vector<1x16xf32> to vector<16xf32>
      %swap3A_76 = vector.shape_cast %broadcast_in_dim3A_1 : vector<16xf32> to vector<1x16xf32>
      tpu.vector_store %arg7[%swap3A_72, %swap3A_73], %swap3A_76 {strides = array<i32>} : memref<224x128xf32, #tpu.memory_space<vmem>>, vector<1x16xf32>,
      %scan3A_77 = arith.constant 0 : i32
      scf.yield %scan3A_77 : i32
    }
    %scan3A_9 = arith.constant 224 : i32
    %scan3A_10 = arith.constant 0 : i32
    %scan3A_11 = arith.constant 0 : i32
    %scan3A_12 = arith.constant 128 : i32
    %scan3A_13 = arith.addi %scan3A_11, %scan3A_12 : i32
    %scan3A_14 = arith.constant 1 : i32
    %scan3A_15 = scf.for %scan3A_36 = %scan3A_11 to %scan3A_13 step %scan3A_14 iter_args(%scan3A_37 = %scan3A_10) -> (i32)  : i32 {
      %swap3A = arith.index_cast %scan3A_36 : i32 to index
      %swap3A_38 = arith.constant 0 : index
      %swap3A_39 = tpu.vector_load %arg8[%swap3A, %swap3A_38] {strides = array<i32>} : memref<128x128xf32, #tpu.memory_space<vmem>>, vector<1x16xf32>,
      %swap3A_40 = vector.shape_cast %swap3A_39 : vector<1x16xf32> to vector<16xf32>
      %swap3A_41 = vector.shape_cast %broadcast_in_dim3A_3 : vector<16xf32> to vector<1x16xf32>
      tpu.vector_store %arg8[%swap3A, %swap3A_38], %swap3A_41 {strides = array<i32>} : memref<128x128xf32, #tpu.memory_space<vmem>>, vector<1x16xf32>,
      %swap3A_42 = arith.index_cast %scan3A_36 : i32 to index
      %swap3A_43 = arith.constant 16 : index
      %swap3A_44 = tpu.vector_load %arg8[%swap3A_42, %swap3A_43] {strides = array<i32>} : memref<128x128xf32, #tpu.memory_space<vmem>>, vector<1x16xf32>,
      %swap3A_45 = vector.shape_cast %swap3A_44 : vector<1x16xf32> to vector<16xf32>
      %swap3A_46 = vector.shape_cast %broadcast_in_dim3A_3 : vector<16xf32> to vector<1x16xf32>
      tpu.vector_store %arg8[%swap3A_42, %swap3A_43], %swap3A_46 {strides = array<i32>} : memref<128x128xf32, #tpu.memory_space<vmem>>, vector<1x16xf32>,
      %swap3A_47 = arith.index_cast %scan3A_36 : i32 to index
      %swap3A_48 = arith.constant 32 : index
      %swap3A_49 = tpu.vector_load %arg8[%swap3A_47, %swap3A_48] {strides = array<i32>} : memref<128x128xf32, #tpu.memory_space<vmem>>, vector<1x16xf32>,
      %swap3A_50 = vector.shape_cast %swap3A_49 : vector<1x16xf32> to vector<16xf32>
      %swap3A_51 = vector.shape_cast %broadcast_in_dim3A_3 : vector<16xf32> to vector<1x16xf32>
      tpu.vector_store %arg8[%swap3A_47, %swap3A_48], %swap3A_51 {strides = array<i32>} : memref<128x128xf32, #tpu.memory_space<vmem>>, vector<1x16xf32>,
      %swap3A_52 = arith.index_cast %scan3A_36 : i32 to index
      %swap3A_53 = arith.constant 48 : index
      %swap3A_54 = tpu.vector_load %arg8[%swap3A_52, %swap3A_53] {strides = array<i32>} : memref<128x128xf32, #tpu.memory_space<vmem>>, vector<1x16xf32>,
      %swap3A_55 = vector.shape_cast %swap3A_54 : vector<1x16xf32> to vector<16xf32>
      %swap3A_56 = vector.shape_cast %broadcast_in_dim3A_3 : vector<16xf32> to vector<1x16xf32>
      tpu.vector_store %arg8[%swap3A_52, %swap3A_53], %swap3A_56 {strides = array<i32>} : memref<128x128xf32, #tpu.memory_space<vmem>>, vector<1x16xf32>,
      %swap3A_57 = arith.index_cast %scan3A_36 : i32 to index
      %swap3A_58 = arith.constant 64 : index
      %swap3A_59 = tpu.vector_load %arg8[%swap3A_57, %swap3A_58] {strides = array<i32>} : memref<128x128xf32, #tpu.memory_space<vmem>>, vector<1x16xf32>,
      %swap3A_60 = vector.shape_cast %swap3A_59 : vector<1x16xf32> to vector<16xf32>
      %swap3A_61 = vector.shape_cast %broadcast_in_dim3A_3 : vector<16xf32> to vector<1x16xf32>
      tpu.vector_store %arg8[%swap3A_57, %swap3A_58], %swap3A_61 {strides = array<i32>} : memref<128x128xf32, #tpu.memory_space<vmem>>, vector<1x16xf32>,
      %swap3A_62 = arith.index_cast %scan3A_36 : i32 to index
      %swap3A_63 = arith.constant 80 : index
      %swap3A_64 = tpu.vector_load %arg8[%swap3A_62, %swap3A_63] {strides = array<i32>} : memref<128x128xf32, #tpu.memory_space<vmem>>, vector<1x16xf32>,
      %swap3A_65 = vector.shape_cast %swap3A_64 : vector<1x16xf32> to vector<16xf32>
      %swap3A_66 = vector.shape_cast %broadcast_in_dim3A_3 : vector<16xf32> to vector<1x16xf32>
      tpu.vector_store %arg8[%swap3A_62, %swap3A_63], %swap3A_66 {strides = array<i32>} : memref<128x128xf32, #tpu.memory_space<vmem>>, vector<1x16xf32>,
      %swap3A_67 = arith.index_cast %scan3A_36 : i32 to index
      %swap3A_68 = arith.constant 96 : index
      %swap3A_69 = tpu.vector_load %arg8[%swap3A_67, %swap3A_68] {strides = array<i32>} : memref<128x128xf32, #tpu.memory_space<vmem>>, vector<1x16xf32>,
      %swap3A_70 = vector.shape_cast %swap3A_69 : vector<1x16xf32> to vector<16xf32>
      %swap3A_71 = vector.shape_cast %broadcast_in_dim3A_3 : vector<16xf32> to vector<1x16xf32>
      tpu.vector_store %arg8[%swap3A_67, %swap3A_68], %swap3A_71 {strides = array<i32>} : memref<128x128xf32, #tpu.memory_space<vmem>>, vector<1x16xf32>,
      %swap3A_72 = arith.index_cast %scan3A_36 : i32 to index
      %swap3A_73 = arith.constant 112 : index
      %swap3A_74 = tpu.vector_load %arg8[%swap3A_72, %swap3A_73] {strides = array<i32>} : memref<128x128xf32, #tpu.memory_space<vmem>>, vector<1x16xf32>,
      %swap3A_75 = vector.shape_cast %swap3A_74 : vector<1x16xf32> to vector<16xf32>
      %swap3A_76 = vector.shape_cast %broadcast_in_dim3A_3 : vector<16xf32> to vector<1x16xf32>
      tpu.vector_store %arg8[%swap3A_72, %swap3A_73], %swap3A_76 {strides = array<i32>} : memref<128x128xf32, #tpu.memory_space<vmem>>, vector<1x16xf32>,
      %scan3A_77 = arith.constant 0 : i32
      scf.yield %scan3A_77 : i32
    }
    %scan3A_16 = arith.constant 128 : i32
    %mul3A_17 = arith.constant 224 : i32
    %mul3A_18 = arith.muli %arg1, %mul3A_17 : i32
    %multiple_of3A = tpu.assume_multiple %mul3A_18, 8 : i32
    %mul3A_19 = arith.constant 224 : i32
    %mul3A_20 = arith.muli %arg1, %mul3A_19 : i32
    %multiple_of3A_21 = tpu.assume_multiple %mul3A_20, 8 : i32
    %scan3A_22 = arith.constant 0 : i32
    %scan3A_23 = arith.constant 0 : i32
    %scan3A_24 = arith.constant 3 : i32
    %scan3A_25 = arith.addi %scan3A_23, %scan3A_24 : i32
    %scan3A_26 = arith.constant 1 : i32
    %scan3A_27 = scf.for %scan3A_36 = %scan3A_23 to %scan3A_25 step %scan3A_26 iter_args(%scan3A_37 = %scan3A_22) -> (i32)  : i32 {
      "tpu.region"() ({
        %run_scoped3A = tpu.sem_alloc : memref<!tpu.dma_semaphore, #tpu.memory_space<semaphore_mem>>
        %dma_start3A = arith.constant 0 : i32
        %dma_start3A_53 = tpu.memref_slice %arg6[%multiple_of3A, %dma_start3A] : memref<3592x128xf32, #tpu.memory_space<vmem_shared>> -> memref<224x128xf32, #tpu.memory_space<vmem_shared>>
        %dma_start3A_54 = arith.constant 0 : i32
        %dma_start3A_55 = tpu.memref_slice %arg6[%multiple_of3A, %dma_start3A_54] : memref<3592x128xf32, #tpu.memory_space<vmem_shared>> -> memref<224x128xf32, #tpu.memory_space<vmem_shared>>
        tpu.enqueue_dma source(%arg7 : memref<224x128xf32, #tpu.memory_space<vmem>>) target(%dma_start3A_55 : memref<224x128xf32, #tpu.memory_space<vmem_shared>>) target_semaphore(%run_scoped3A : memref<!tpu.dma_semaphore, #tpu.memory_space<semaphore_mem>>)
        %dma_wait3A = arith.constant 0 : i32
        %dma_wait3A_56 = tpu.memref_slice %arg6[%multiple_of3A, %dma_wait3A] : memref<3592x128xf32, #tpu.memory_space<vmem_shared>> -> memref<224x128xf32, #tpu.memory_space<vmem_shared>>
        %dma_wait3A_57 = arith.constant 0 : i32
        %dma_wait3A_58 = tpu.memref_slice %arg6[%multiple_of3A, %dma_wait3A_57] : memref<3592x128xf32, #tpu.memory_space<vmem_shared>> -> memref<224x128xf32, #tpu.memory_space<vmem_shared>>
        tpu.wait_dma2 semaphore(%run_scoped3A : memref<!tpu.dma_semaphore, #tpu.memory_space<semaphore_mem>>) src(%arg7 : memref<224x128xf32, #tpu.memory_space<vmem>>) dst(%dma_wait3A_58 : memref<224x128xf32, #tpu.memory_space<vmem_shared>>)
        tpu.yield
      }) : () -> ()
      %barrier3A = arith.constant 0 : index
      tpu.barrier barrier_id(%barrier3A)
      %mul3A_38 = arith.constant 3584 : i32
      %mul3A_39 = arith.muli %scan3A_36, %mul3A_38 : i32
      %scan3A_40 = arith.constant 0 : i32
      %scan3A_41 = arith.constant 0 : i32
      %scan3A_42 = arith.constant 79 : i32
      %scan3A_43 = arith.addi %scan3A_41, %scan3A_42 : i32
      %scan3A_44 = arith.constant 1 : i32
      %scan3A_45 = scf.for %scan3A_53 = %scan3A_41 to %scan3A_43 step %scan3A_44 iter_args(%scan3A_54 = %scan3A_40) -> (i32)  : i32 {
        %mul3A_55 = arith.constant 128 : i32
        %mul3A_56 = arith.muli %scan3A_53, %mul3A_55 : i32
        %add3A_57 = arith.addi %mul3A_0, %mul3A_56 : i32
        %mul3A_58 = arith.constant 2 : i32
        %mul3A_59 = arith.muli %mul3A_58, %add3A_57 : i32
        %multiple_of3A_60 = tpu.assume_multiple %mul3A_59, 256 : i32
        "tpu.region"() ({
          %run_scoped3A = tpu.sem_alloc : memref<!tpu.dma_semaphore, #tpu.memory_space<semaphore_mem>>
          %dma_start3A_306 = tpu.memref_slice %arg3[%multiple_of3A_60] : memref<323584xi32, #tpu.memory_space<hbm>> -> memref<256xi32, #tpu.memory_space<hbm>>
          %dma_start3A_307 = tpu.memref_slice %arg3[%multiple_of3A_60] : memref<323584xi32, #tpu.memory_space<hbm>> -> memref<256xi32, #tpu.memory_space<hbm>>
          tpu.enqueue_dma source(%dma_start3A_307 : memref<256xi32, #tpu.memory_space<hbm>>) target(%arg9 : memref<256xi32, #tpu.memory_space<vmem>>) target_semaphore(%run_scoped3A : memref<!tpu.dma_semaphore, #tpu.memory_space<semaphore_mem>>)
          %dma_wait3A_308 = tpu.memref_slice %arg3[%multiple_of3A_60] : memref<323584xi32, #tpu.memory_space<hbm>> -> memref<256xi32, #tpu.memory_space<hbm>>
          %dma_wait3A_309 = tpu.memref_slice %arg3[%multiple_of3A_60] : memref<323584xi32, #tpu.memory_space<hbm>> -> memref<256xi32, #tpu.memory_space<hbm>>
          tpu.wait_dma2 semaphore(%run_scoped3A : memref<!tpu.dma_semaphore, #tpu.memory_space<semaphore_mem>>) src(%dma_wait3A_309 : memref<256xi32, #tpu.memory_space<hbm>>) dst(%arg9 : memref<256xi32, #tpu.memory_space<vmem>>)
          tpu.yield
        }) : () -> ()
        %get3A = arith.constant 0 : index
        %get3A_61 = tpu.vector_load %arg9[%get3A] {strides = array<i32>} : memref<256xi32, #tpu.memory_space<vmem>>, vector<16xi32>,
        %get3A_62 = vector.shape_cast %get3A_61 : vector<16xi32> to vector<16xi32>
        %mul3A_63 = arith.constant 2 : i32
        %mul3A_64 = vector.broadcast %mul3A_63 : i32 to vector<16xi32>
        %mul3A_65 = arith.muli %get3A_62, %mul3A_64 : vector<16xi32>
        %add3A_66 = vector.broadcast %arg0 : i32 to vector<16xi32>
        %add3A_67 = arith.addi %mul3A_65, %add3A_66 : vector<16xi32>
        %swap3A = arith.constant 0 : index
        %swap3A_68 = tpu.vector_load %arg10[%swap3A] {strides = array<i32>} : memref<128xi32, #tpu.memory_space<vmem>>, vector<16xi32>,
        %swap3A_69 = vector.shape_cast %swap3A_68 : vector<16xi32> to vector<16xi32>
        %swap3A_70 = vector.shape_cast %add3A_67 : vector<16xi32> to vector<16xi32>
        tpu.vector_store %arg10[%swap3A], %swap3A_70 {strides = array<i32>} : memref<128xi32, #tpu.memory_space<vmem>>, vector<16xi32>,
        %get3A_71 = arith.constant 128 : index
        %get3A_72 = tpu.vector_load %arg9[%get3A_71] {strides = array<i32>} : memref<256xi32, #tpu.memory_space<vmem>>, vector<16xi32>,
        %get3A_73 = vector.shape_cast %get3A_72 : vector<16xi32> to vector<16xi32>
        %sub3A = vector.broadcast %mul3A_39 : i32 to vector<16xi32>
        %sub3A_74 = arith.subi %get3A_73, %sub3A : vector<16xi32>
        %ge3A = arith.constant 0 : i32
        %ge3A_75 = vector.broadcast %ge3A : i32 to vector<16xi32>
        %ge3A_76 = arith.cmpi sge, %sub3A_74, %ge3A_75 : vector<16xi32>
        %lt3A = arith.constant 3584 : i32
        %lt3A_77 = vector.broadcast %lt3A : i32 to vector<16xi32>
        %lt3A_78 = arith.cmpi slt, %sub3A_74, %lt3A_77 : vector<16xi32>
        %and3A = arith.andi %ge3A_76, %lt3A_78 : vector<16xi1>
        %jit3A = arith.constant 3584 : i32
        %broadcast_in_dim3A_79 = vector.broadcast %jit3A : i32 to vector<16xi32>
        %select_n3A = arith.select %and3A, %sub3A_74, %broadcast_in_dim3A_79 : vector<16xi1>, vector<16xi32>
        %swap3A_80 = arith.constant 0 : index
        %swap3A_81 = tpu.vector_load %arg11[%swap3A_80] {strides = array<i32>} : memref<128xi32, #tpu.memory_space<vmem>>, vector<16xi32>,
        %swap3A_82 = vector.shape_cast %swap3A_81 : vector<16xi32> to vector<16xi32>
        %swap3A_83 = vector.shape_cast %select_n3A : vector<16xi32> to vector<16xi32>
        tpu.vector_store %arg11[%swap3A_80], %swap3A_83 {strides = array<i32>} : memref<128xi32, #tpu.memory_space<vmem>>, vector<16xi32>,
        %get3A_84 = arith.constant 16 : index
        %get3A_85 = tpu.vector_load %arg9[%get3A_84] {strides = array<i32>} : memref<256xi32, #tpu.memory_space<vmem>>, vector<16xi32>,
        %get3A_86 = vector.shape_cast %get3A_85 : vector<16xi32> to vector<16xi32>
        %mul3A_87 = arith.constant 2 : i32
        %mul3A_88 = vector.broadcast %mul3A_87 : i32 to vector<16xi32>
        %mul3A_89 = arith.muli %get3A_86, %mul3A_88 : vector<16xi32>
        %add3A_90 = vector.broadcast %arg0 : i32 to vector<16xi32>
        %add3A_91 = arith.addi %mul3A_89, %add3A_90 : vector<16xi32>
        %swap3A_92 = arith.constant 16 : index
        %swap3A_93 = tpu.vector_load %arg10[%swap3A_92] {strides = array<i32>} : memref<128xi32, #tpu.memory_space<vmem>>, vector<16xi32>,
        %swap3A_94 = vector.shape_cast %swap3A_93 : vector<16xi32> to vector<16xi32>
        %swap3A_95 = vector.shape_cast %add3A_91 : vector<16xi32> to vector<16xi32>
        tpu.vector_store %arg10[%swap3A_92], %swap3A_95 {strides = array<i32>} : memref<128xi32, #tpu.memory_space<vmem>>, vector<16xi32>,
        %get3A_96 = arith.constant 144 : index
        %get3A_97 = tpu.vector_load %arg9[%get3A_96] {strides = array<i32>} : memref<256xi32, #tpu.memory_space<vmem>>, vector<16xi32>,
        %get3A_98 = vector.shape_cast %get3A_97 : vector<16xi32> to vector<16xi32>
        %sub3A_99 = vector.broadcast %mul3A_39 : i32 to vector<16xi32>
        %sub3A_100 = arith.subi %get3A_98, %sub3A_99 : vector<16xi32>
        %ge3A_101 = arith.constant 0 : i32
        %ge3A_102 = vector.broadcast %ge3A_101 : i32 to vector<16xi32>
        %ge3A_103 = arith.cmpi sge, %sub3A_100, %ge3A_102 : vector<16xi32>
        %lt3A_104 = arith.constant 3584 : i32
        %lt3A_105 = vector.broadcast %lt3A_104 : i32 to vector<16xi32>
        %lt3A_106 = arith.cmpi slt, %sub3A_100, %lt3A_105 : vector<16xi32>
        %and3A_107 = arith.andi %ge3A_103, %lt3A_106 : vector<16xi1>
        %jit3A_108 = arith.constant 3584 : i32
        %broadcast_in_dim3A_109 = vector.broadcast %jit3A_108 : i32 to vector<16xi32>
        %select_n3A_110 = arith.select %and3A_107, %sub3A_100, %broadcast_in_dim3A_109 : vector<16xi1>, vector<16xi32>
        %swap3A_111 = arith.constant 16 : index
        %swap3A_112 = tpu.vector_load %arg11[%swap3A_111] {strides = array<i32>} : memref<128xi32, #tpu.memory_space<vmem>>, vector<16xi32>,
        %swap3A_113 = vector.shape_cast %swap3A_112 : vector<16xi32> to vector<16xi32>
        %swap3A_114 = vector.shape_cast %select_n3A_110 : vector<16xi32> to vector<16xi32>
        tpu.vector_store %arg11[%swap3A_111], %swap3A_114 {strides = array<i32>} : memref<128xi32, #tpu.memory_space<vmem>>, vector<16xi32>,
        %get3A_115 = arith.constant 32 : index
        %get3A_116 = tpu.vector_load %arg9[%get3A_115] {strides = array<i32>} : memref<256xi32, #tpu.memory_space<vmem>>, vector<16xi32>,
        %get3A_117 = vector.shape_cast %get3A_116 : vector<16xi32> to vector<16xi32>
        %mul3A_118 = arith.constant 2 : i32
        %mul3A_119 = vector.broadcast %mul3A_118 : i32 to vector<16xi32>
        %mul3A_120 = arith.muli %get3A_117, %mul3A_119 : vector<16xi32>
        %add3A_121 = vector.broadcast %arg0 : i32 to vector<16xi32>
        %add3A_122 = arith.addi %mul3A_120, %add3A_121 : vector<16xi32>
        %swap3A_123 = arith.constant 32 : index
        %swap3A_124 = tpu.vector_load %arg10[%swap3A_123] {strides = array<i32>} : memref<128xi32, #tpu.memory_space<vmem>>, vector<16xi32>,
        %swap3A_125 = vector.shape_cast %swap3A_124 : vector<16xi32> to vector<16xi32>
        %swap3A_126 = vector.shape_cast %add3A_122 : vector<16xi32> to vector<16xi32>
        tpu.vector_store %arg10[%swap3A_123], %swap3A_126 {strides = array<i32>} : memref<128xi32, #tpu.memory_space<vmem>>, vector<16xi32>,
        %get3A_127 = arith.constant 160 : index
        %get3A_128 = tpu.vector_load %arg9[%get3A_127] {strides = array<i32>} : memref<256xi32, #tpu.memory_space<vmem>>, vector<16xi32>,
        %get3A_129 = vector.shape_cast %get3A_128 : vector<16xi32> to vector<16xi32>
        %sub3A_130 = vector.broadcast %mul3A_39 : i32 to vector<16xi32>
        %sub3A_131 = arith.subi %get3A_129, %sub3A_130 : vector<16xi32>
        %ge3A_132 = arith.constant 0 : i32
        %ge3A_133 = vector.broadcast %ge3A_132 : i32 to vector<16xi32>
        %ge3A_134 = arith.cmpi sge, %sub3A_131, %ge3A_133 : vector<16xi32>
        %lt3A_135 = arith.constant 3584 : i32
        %lt3A_136 = vector.broadcast %lt3A_135 : i32 to vector<16xi32>
        %lt3A_137 = arith.cmpi slt, %sub3A_131, %lt3A_136 : vector<16xi32>
        %and3A_138 = arith.andi %ge3A_134, %lt3A_137 : vector<16xi1>
        %jit3A_139 = arith.constant 3584 : i32
        %broadcast_in_dim3A_140 = vector.broadcast %jit3A_139 : i32 to vector<16xi32>
        %select_n3A_141 = arith.select %and3A_138, %sub3A_131, %broadcast_in_dim3A_140 : vector<16xi1>, vector<16xi32>
        %swap3A_142 = arith.constant 32 : index
        %swap3A_143 = tpu.vector_load %arg11[%swap3A_142] {strides = array<i32>} : memref<128xi32, #tpu.memory_space<vmem>>, vector<16xi32>,
        %swap3A_144 = vector.shape_cast %swap3A_143 : vector<16xi32> to vector<16xi32>
        %swap3A_145 = vector.shape_cast %select_n3A_141 : vector<16xi32> to vector<16xi32>
        tpu.vector_store %arg11[%swap3A_142], %swap3A_145 {strides = array<i32>} : memref<128xi32, #tpu.memory_space<vmem>>, vector<16xi32>,
        %get3A_146 = arith.constant 48 : index
        %get3A_147 = tpu.vector_load %arg9[%get3A_146] {strides = array<i32>} : memref<256xi32, #tpu.memory_space<vmem>>, vector<16xi32>,
        %get3A_148 = vector.shape_cast %get3A_147 : vector<16xi32> to vector<16xi32>
        %mul3A_149 = arith.constant 2 : i32
        %mul3A_150 = vector.broadcast %mul3A_149 : i32 to vector<16xi32>
        %mul3A_151 = arith.muli %get3A_148, %mul3A_150 : vector<16xi32>
        %add3A_152 = vector.broadcast %arg0 : i32 to vector<16xi32>
        %add3A_153 = arith.addi %mul3A_151, %add3A_152 : vector<16xi32>
        %swap3A_154 = arith.constant 48 : index
        %swap3A_155 = tpu.vector_load %arg10[%swap3A_154] {strides = array<i32>} : memref<128xi32, #tpu.memory_space<vmem>>, vector<16xi32>,
        %swap3A_156 = vector.shape_cast %swap3A_155 : vector<16xi32> to vector<16xi32>
        %swap3A_157 = vector.shape_cast %add3A_153 : vector<16xi32> to vector<16xi32>
        tpu.vector_store %arg10[%swap3A_154], %swap3A_157 {strides = array<i32>} : memref<128xi32, #tpu.memory_space<vmem>>, vector<16xi32>,
        %get3A_158 = arith.constant 176 : index
        %get3A_159 = tpu.vector_load %arg9[%get3A_158] {strides = array<i32>} : memref<256xi32, #tpu.memory_space<vmem>>, vector<16xi32>,
        %get3A_160 = vector.shape_cast %get3A_159 : vector<16xi32> to vector<16xi32>
        %sub3A_161 = vector.broadcast %mul3A_39 : i32 to vector<16xi32>
        %sub3A_162 = arith.subi %get3A_160, %sub3A_161 : vector<16xi32>
        %ge3A_163 = arith.constant 0 : i32
        %ge3A_164 = vector.broadcast %ge3A_163 : i32 to vector<16xi32>
        %ge3A_165 = arith.cmpi sge, %sub3A_162, %ge3A_164 : vector<16xi32>
        %lt3A_166 = arith.constant 3584 : i32
        %lt3A_167 = vector.broadcast %lt3A_166 : i32 to vector<16xi32>
        %lt3A_168 = arith.cmpi slt, %sub3A_162, %lt3A_167 : vector<16xi32>
        %and3A_169 = arith.andi %ge3A_165, %lt3A_168 : vector<16xi1>
        %jit3A_170 = arith.constant 3584 : i32
        %broadcast_in_dim3A_171 = vector.broadcast %jit3A_170 : i32 to vector<16xi32>
        %select_n3A_172 = arith.select %and3A_169, %sub3A_162, %broadcast_in_dim3A_171 : vector<16xi1>, vector<16xi32>
        %swap3A_173 = arith.constant 48 : index
        %swap3A_174 = tpu.vector_load %arg11[%swap3A_173] {strides = array<i32>} : memref<128xi32, #tpu.memory_space<vmem>>, vector<16xi32>,
        %swap3A_175 = vector.shape_cast %swap3A_174 : vector<16xi32> to vector<16xi32>
        %swap3A_176 = vector.shape_cast %select_n3A_172 : vector<16xi32> to vector<16xi32>
        tpu.vector_store %arg11[%swap3A_173], %swap3A_176 {strides = array<i32>} : memref<128xi32, #tpu.memory_space<vmem>>, vector<16xi32>,
        %get3A_177 = arith.constant 64 : index
        %get3A_178 = tpu.vector_load %arg9[%get3A_177] {strides = array<i32>} : memref<256xi32, #tpu.memory_space<vmem>>, vector<16xi32>,
        %get3A_179 = vector.shape_cast %get3A_178 : vector<16xi32> to vector<16xi32>
        %mul3A_180 = arith.constant 2 : i32
        %mul3A_181 = vector.broadcast %mul3A_180 : i32 to vector<16xi32>
        %mul3A_182 = arith.muli %get3A_179, %mul3A_181 : vector<16xi32>
        %add3A_183 = vector.broadcast %arg0 : i32 to vector<16xi32>
        %add3A_184 = arith.addi %mul3A_182, %add3A_183 : vector<16xi32>
        %swap3A_185 = arith.constant 64 : index
        %swap3A_186 = tpu.vector_load %arg10[%swap3A_185] {strides = array<i32>} : memref<128xi32, #tpu.memory_space<vmem>>, vector<16xi32>,
        %swap3A_187 = vector.shape_cast %swap3A_186 : vector<16xi32> to vector<16xi32>
        %swap3A_188 = vector.shape_cast %add3A_184 : vector<16xi32> to vector<16xi32>
        tpu.vector_store %arg10[%swap3A_185], %swap3A_188 {strides = array<i32>} : memref<128xi32, #tpu.memory_space<vmem>>, vector<16xi32>,
        %get3A_189 = arith.constant 192 : index
        %get3A_190 = tpu.vector_load %arg9[%get3A_189] {strides = array<i32>} : memref<256xi32, #tpu.memory_space<vmem>>, vector<16xi32>,
        %get3A_191 = vector.shape_cast %get3A_190 : vector<16xi32> to vector<16xi32>
        %sub3A_192 = vector.broadcast %mul3A_39 : i32 to vector<16xi32>
        %sub3A_193 = arith.subi %get3A_191, %sub3A_192 : vector<16xi32>
        %ge3A_194 = arith.constant 0 : i32
        %ge3A_195 = vector.broadcast %ge3A_194 : i32 to vector<16xi32>
        %ge3A_196 = arith.cmpi sge, %sub3A_193, %ge3A_195 : vector<16xi32>
        %lt3A_197 = arith.constant 3584 : i32
        %lt3A_198 = vector.broadcast %lt3A_197 : i32 to vector<16xi32>
        %lt3A_199 = arith.cmpi slt, %sub3A_193, %lt3A_198 : vector<16xi32>
        %and3A_200 = arith.andi %ge3A_196, %lt3A_199 : vector<16xi1>
        %jit3A_201 = arith.constant 3584 : i32
        %broadcast_in_dim3A_202 = vector.broadcast %jit3A_201 : i32 to vector<16xi32>
        %select_n3A_203 = arith.select %and3A_200, %sub3A_193, %broadcast_in_dim3A_202 : vector<16xi1>, vector<16xi32>
        %swap3A_204 = arith.constant 64 : index
        %swap3A_205 = tpu.vector_load %arg11[%swap3A_204] {strides = array<i32>} : memref<128xi32, #tpu.memory_space<vmem>>, vector<16xi32>,
        %swap3A_206 = vector.shape_cast %swap3A_205 : vector<16xi32> to vector<16xi32>
        %swap3A_207 = vector.shape_cast %select_n3A_203 : vector<16xi32> to vector<16xi32>
        tpu.vector_store %arg11[%swap3A_204], %swap3A_207 {strides = array<i32>} : memref<128xi32, #tpu.memory_space<vmem>>, vector<16xi32>,
        %get3A_208 = arith.constant 80 : index
        %get3A_209 = tpu.vector_load %arg9[%get3A_208] {strides = array<i32>} : memref<256xi32, #tpu.memory_space<vmem>>, vector<16xi32>,
        %get3A_210 = vector.shape_cast %get3A_209 : vector<16xi32> to vector<16xi32>
        %mul3A_211 = arith.constant 2 : i32
        %mul3A_212 = vector.broadcast %mul3A_211 : i32 to vector<16xi32>
        %mul3A_213 = arith.muli %get3A_210, %mul3A_212 : vector<16xi32>
        %add3A_214 = vector.broadcast %arg0 : i32 to vector<16xi32>
        %add3A_215 = arith.addi %mul3A_213, %add3A_214 : vector<16xi32>
        %swap3A_216 = arith.constant 80 : index
        %swap3A_217 = tpu.vector_load %arg10[%swap3A_216] {strides = array<i32>} : memref<128xi32, #tpu.memory_space<vmem>>, vector<16xi32>,
        %swap3A_218 = vector.shape_cast %swap3A_217 : vector<16xi32> to vector<16xi32>
        %swap3A_219 = vector.shape_cast %add3A_215 : vector<16xi32> to vector<16xi32>
        tpu.vector_store %arg10[%swap3A_216], %swap3A_219 {strides = array<i32>} : memref<128xi32, #tpu.memory_space<vmem>>, vector<16xi32>,
        %get3A_220 = arith.constant 208 : index
        %get3A_221 = tpu.vector_load %arg9[%get3A_220] {strides = array<i32>} : memref<256xi32, #tpu.memory_space<vmem>>, vector<16xi32>,
        %get3A_222 = vector.shape_cast %get3A_221 : vector<16xi32> to vector<16xi32>
        %sub3A_223 = vector.broadcast %mul3A_39 : i32 to vector<16xi32>
        %sub3A_224 = arith.subi %get3A_222, %sub3A_223 : vector<16xi32>
        %ge3A_225 = arith.constant 0 : i32
        %ge3A_226 = vector.broadcast %ge3A_225 : i32 to vector<16xi32>
        %ge3A_227 = arith.cmpi sge, %sub3A_224, %ge3A_226 : vector<16xi32>
        %lt3A_228 = arith.constant 3584 : i32
        %lt3A_229 = vector.broadcast %lt3A_228 : i32 to vector<16xi32>
        %lt3A_230 = arith.cmpi slt, %sub3A_224, %lt3A_229 : vector<16xi32>
        %and3A_231 = arith.andi %ge3A_227, %lt3A_230 : vector<16xi1>
        %jit3A_232 = arith.constant 3584 : i32
        %broadcast_in_dim3A_233 = vector.broadcast %jit3A_232 : i32 to vector<16xi32>
        %select_n3A_234 = arith.select %and3A_231, %sub3A_224, %broadcast_in_dim3A_233 : vector<16xi1>, vector<16xi32>
        %swap3A_235 = arith.constant 80 : index
        %swap3A_236 = tpu.vector_load %arg11[%swap3A_235] {strides = array<i32>} : memref<128xi32, #tpu.memory_space<vmem>>, vector<16xi32>,
        %swap3A_237 = vector.shape_cast %swap3A_236 : vector<16xi32> to vector<16xi32>
        %swap3A_238 = vector.shape_cast %select_n3A_234 : vector<16xi32> to vector<16xi32>
        tpu.vector_store %arg11[%swap3A_235], %swap3A_238 {strides = array<i32>} : memref<128xi32, #tpu.memory_space<vmem>>, vector<16xi32>,
        %get3A_239 = arith.constant 96 : index
        %get3A_240 = tpu.vector_load %arg9[%get3A_239] {strides = array<i32>} : memref<256xi32, #tpu.memory_space<vmem>>, vector<16xi32>,
        %get3A_241 = vector.shape_cast %get3A_240 : vector<16xi32> to vector<16xi32>
        %mul3A_242 = arith.constant 2 : i32
        %mul3A_243 = vector.broadcast %mul3A_242 : i32 to vector<16xi32>
        %mul3A_244 = arith.muli %get3A_241, %mul3A_243 : vector<16xi32>
        %add3A_245 = vector.broadcast %arg0 : i32 to vector<16xi32>
        %add3A_246 = arith.addi %mul3A_244, %add3A_245 : vector<16xi32>
        %swap3A_247 = arith.constant 96 : index
        %swap3A_248 = tpu.vector_load %arg10[%swap3A_247] {strides = array<i32>} : memref<128xi32, #tpu.memory_space<vmem>>, vector<16xi32>,
        %swap3A_249 = vector.shape_cast %swap3A_248 : vector<16xi32> to vector<16xi32>
        %swap3A_250 = vector.shape_cast %add3A_246 : vector<16xi32> to vector<16xi32>
        tpu.vector_store %arg10[%swap3A_247], %swap3A_250 {strides = array<i32>} : memref<128xi32, #tpu.memory_space<vmem>>, vector<16xi32>,
        %get3A_251 = arith.constant 224 : index
        %get3A_252 = tpu.vector_load %arg9[%get3A_251] {strides = array<i32>} : memref<256xi32, #tpu.memory_space<vmem>>, vector<16xi32>,
        %get3A_253 = vector.shape_cast %get3A_252 : vector<16xi32> to vector<16xi32>
        %sub3A_254 = vector.broadcast %mul3A_39 : i32 to vector<16xi32>
        %sub3A_255 = arith.subi %get3A_253, %sub3A_254 : vector<16xi32>
        %ge3A_256 = arith.constant 0 : i32
        %ge3A_257 = vector.broadcast %ge3A_256 : i32 to vector<16xi32>
        %ge3A_258 = arith.cmpi sge, %sub3A_255, %ge3A_257 : vector<16xi32>
        %lt3A_259 = arith.constant 3584 : i32
        %lt3A_260 = vector.broadcast %lt3A_259 : i32 to vector<16xi32>
        %lt3A_261 = arith.cmpi slt, %sub3A_255, %lt3A_260 : vector<16xi32>
        %and3A_262 = arith.andi %ge3A_258, %lt3A_261 : vector<16xi1>
        %jit3A_263 = arith.constant 3584 : i32
        %broadcast_in_dim3A_264 = vector.broadcast %jit3A_263 : i32 to vector<16xi32>
        %select_n3A_265 = arith.select %and3A_262, %sub3A_255, %broadcast_in_dim3A_264 : vector<16xi1>, vector<16xi32>
        %swap3A_266 = arith.constant 96 : index
        %swap3A_267 = tpu.vector_load %arg11[%swap3A_266] {strides = array<i32>} : memref<128xi32, #tpu.memory_space<vmem>>, vector<16xi32>,
        %swap3A_268 = vector.shape_cast %swap3A_267 : vector<16xi32> to vector<16xi32>
        %swap3A_269 = vector.shape_cast %select_n3A_265 : vector<16xi32> to vector<16xi32>
        tpu.vector_store %arg11[%swap3A_266], %swap3A_269 {strides = array<i32>} : memref<128xi32, #tpu.memory_space<vmem>>, vector<16xi32>,
        %get3A_270 = arith.constant 112 : index
        %get3A_271 = tpu.vector_load %arg9[%get3A_270] {strides = array<i32>} : memref<256xi32, #tpu.memory_space<vmem>>, vector<16xi32>,
        %get3A_272 = vector.shape_cast %get3A_271 : vector<16xi32> to vector<16xi32>
        %mul3A_273 = arith.constant 2 : i32
        %mul3A_274 = vector.broadcast %mul3A_273 : i32 to vector<16xi32>
        %mul3A_275 = arith.muli %get3A_272, %mul3A_274 : vector<16xi32>
        %add3A_276 = vector.broadcast %arg0 : i32 to vector<16xi32>
        %add3A_277 = arith.addi %mul3A_275, %add3A_276 : vector<16xi32>
        %swap3A_278 = arith.constant 112 : index
        %swap3A_279 = tpu.vector_load %arg10[%swap3A_278] {strides = array<i32>} : memref<128xi32, #tpu.memory_space<vmem>>, vector<16xi32>,
        %swap3A_280 = vector.shape_cast %swap3A_279 : vector<16xi32> to vector<16xi32>
        %swap3A_281 = vector.shape_cast %add3A_277 : vector<16xi32> to vector<16xi32>
        tpu.vector_store %arg10[%swap3A_278], %swap3A_281 {strides = array<i32>} : memref<128xi32, #tpu.memory_space<vmem>>, vector<16xi32>,
        %get3A_282 = arith.constant 240 : index
        %get3A_283 = tpu.vector_load %arg9[%get3A_282] {strides = array<i32>} : memref<256xi32, #tpu.memory_space<vmem>>, vector<16xi32>,
        %get3A_284 = vector.shape_cast %get3A_283 : vector<16xi32> to vector<16xi32>
        %sub3A_285 = vector.broadcast %mul3A_39 : i32 to vector<16xi32>
        %sub3A_286 = arith.subi %get3A_284, %sub3A_285 : vector<16xi32>
        %ge3A_287 = arith.constant 0 : i32
        %ge3A_288 = vector.broadcast %ge3A_287 : i32 to vector<16xi32>
        %ge3A_289 = arith.cmpi sge, %sub3A_286, %ge3A_288 : vector<16xi32>
        %lt3A_290 = arith.constant 3584 : i32
        %lt3A_291 = vector.broadcast %lt3A_290 : i32 to vector<16xi32>
        %lt3A_292 = arith.cmpi slt, %sub3A_286, %lt3A_291 : vector<16xi32>
        %and3A_293 = arith.andi %ge3A_289, %lt3A_292 : vector<16xi1>
        %jit3A_294 = arith.constant 3584 : i32
        %broadcast_in_dim3A_295 = vector.broadcast %jit3A_294 : i32 to vector<16xi32>
        %select_n3A_296 = arith.select %and3A_293, %sub3A_286, %broadcast_in_dim3A_295 : vector<16xi1>, vector<16xi32>
        %swap3A_297 = arith.constant 112 : index
        %swap3A_298 = tpu.vector_load %arg11[%swap3A_297] {strides = array<i32>} : memref<128xi32, #tpu.memory_space<vmem>>, vector<16xi32>,
        %swap3A_299 = vector.shape_cast %swap3A_298 : vector<16xi32> to vector<16xi32>
        %swap3A_300 = vector.shape_cast %select_n3A_296 : vector<16xi32> to vector<16xi32>
        tpu.vector_store %arg11[%swap3A_297], %swap3A_300 {strides = array<i32>} : memref<128xi32, #tpu.memory_space<vmem>>, vector<16xi32>,
        %dma_start3A = arith.constant 0 : i32
        %dma_start3A_301 = arith.constant 0 : i32
        %dma_start3A_302 = tpu.memref_slice %arg2[%dma_start3A, %dma_start3A_301] : memref<20000x128xf32, #tpu.memory_space<hbm>> -> memref<20000x128xf32, #tpu.memory_space<hbm>>
        tpu.enqueue_indirect_dma source(%dma_start3A_302 : memref<20000x128xf32, #tpu.memory_space<hbm>>) target(%arg12 : memref<128x128xf32, #tpu.memory_space<vmem>>) offsets(%arg10 : memref<128xi32, #tpu.memory_space<vmem>>) semaphore(%arg13 : memref<!tpu.dma_semaphore, #tpu.memory_space<semaphore_mem>>)
        %dma_wait3A = arith.constant 0 : i32
        %dma_wait3A_303 = arith.constant 0 : i32
        %dma_wait3A_304 = tpu.memref_slice %arg2[%dma_wait3A, %dma_wait3A_303] : memref<20000x128xf32, #tpu.memory_space<hbm>> -> memref<20000x128xf32, #tpu.memory_space<hbm>>
        tpu.wait_indirect_dma semaphore(%arg13 : memref<!tpu.dma_semaphore, #tpu.memory_space<semaphore_mem>>) src(%dma_wait3A_304 : memref<20000x128xf32, #tpu.memory_space<hbm>>) dst(%arg12 : memref<128x128xf32, #tpu.memory_space<vmem>>)
        "tpu.region"() ({
          %run_scoped3A = tpu.sem_alloc : memref<!tpu.dma_semaphore, #tpu.memory_space<semaphore_mem>>
          %dma_start3A_306 = arith.constant 0 : i32
          %dma_start3A_307 = arith.constant 0 : i32
          %dma_start3A_308 = tpu.memref_slice %arg6[%dma_start3A_306, %dma_start3A_307] : memref<3592x128xf32, #tpu.memory_space<vmem_shared>> -> memref<3592x128xf32, #tpu.memory_space<vmem_shared>>
          tpu.enqueue_indirect_dma source(%arg12 : memref<128x128xf32, #tpu.memory_space<vmem>>) target(%dma_start3A_308 : memref<3592x128xf32, #tpu.memory_space<vmem_shared>>) offsets(%arg11 : memref<128xi32, #tpu.memory_space<vmem>>) semaphore(%run_scoped3A : memref<!tpu.dma_semaphore, #tpu.memory_space<semaphore_mem>>) {add = true}
          %dma_wait3A_309 = arith.constant 0 : i32
          %dma_wait3A_310 = arith.constant 0 : i32
          %dma_wait3A_311 = tpu.memref_slice %arg6[%dma_wait3A_309, %dma_wait3A_310] : memref<3592x128xf32, #tpu.memory_space<vmem_shared>> -> memref<3592x128xf32, #tpu.memory_space<vmem_shared>>
          tpu.wait_indirect_dma semaphore(%run_scoped3A : memref<!tpu.dma_semaphore, #tpu.memory_space<semaphore_mem>>) src(%arg12 : memref<128x128xf32, #tpu.memory_space<vmem>>) dst(%dma_wait3A_311 : memref<3592x128xf32, #tpu.memory_space<vmem_shared>>)
          tpu.yield
        }) : () -> ()
        %scan3A_305 = arith.constant 0 : i32
        scf.yield %scan3A_305 : i32
      }
      %scan3A_46 = arith.constant 79 : i32
      %barrier3A_47 = arith.constant 0 : index
      tpu.barrier barrier_id(%barrier3A_47)
      %mul3A_48 = arith.constant 224 : i32
      %mul3A_49 = arith.muli %arg1, %mul3A_48 : i32
      %add3A = arith.addi %mul3A_39, %mul3A_49 : i32
      %multiple_of3A_50 = tpu.assume_multiple %add3A, 8 : i32
      "tpu.region"() ({
        %run_scoped3A = tpu.sem_alloc : memref<!tpu.dma_semaphore, #tpu.memory_space<semaphore_mem>>
        %dma_start3A = arith.constant 0 : i32
        %dma_start3A_53 = tpu.memref_slice %arg4[%arg0, %multiple_of3A_50, %dma_start3A] : memref<2x10752x128xf32, #tpu.memory_space<hbm>> -> memref<1x224x128xf32, #tpu.memory_space<hbm>>
        %dma_start3A_54 = tpu.memref_squeeze %dma_start3A_53 : memref<1x224x128xf32, #tpu.memory_space<hbm>> -> memref<224x128xf32, #tpu.memory_space<hbm>>
        %dma_start3A_55 = arith.constant 0 : i32
        %dma_start3A_56 = tpu.memref_slice %arg6[%multiple_of3A_21, %dma_start3A_55] : memref<3592x128xf32, #tpu.memory_space<vmem_shared>> -> memref<224x128xf32, #tpu.memory_space<vmem_shared>>
        tpu.enqueue_dma source(%dma_start3A_56 : memref<224x128xf32, #tpu.memory_space<vmem_shared>>) target(%dma_start3A_54 : memref<224x128xf32, #tpu.memory_space<hbm>>) target_semaphore(%run_scoped3A : memref<!tpu.dma_semaphore, #tpu.memory_space<semaphore_mem>>)
        %dma_wait3A = arith.constant 0 : i32
        %dma_wait3A_57 = tpu.memref_slice %arg4[%arg0, %multiple_of3A_50, %dma_wait3A] : memref<2x10752x128xf32, #tpu.memory_space<hbm>> -> memref<1x224x128xf32, #tpu.memory_space<hbm>>
        %dma_wait3A_58 = tpu.memref_squeeze %dma_wait3A_57 : memref<1x224x128xf32, #tpu.memory_space<hbm>> -> memref<224x128xf32, #tpu.memory_space<hbm>>
        %dma_wait3A_59 = arith.constant 0 : i32
        %dma_wait3A_60 = tpu.memref_slice %arg6[%multiple_of3A_21, %dma_wait3A_59] : memref<3592x128xf32, #tpu.memory_space<vmem_shared>> -> memref<224x128xf32, #tpu.memory_space<vmem_shared>>
        tpu.wait_dma2 semaphore(%run_scoped3A : memref<!tpu.dma_semaphore, #tpu.memory_space<semaphore_mem>>) src(%dma_wait3A_60 : memref<224x128xf32, #tpu.memory_space<vmem_shared>>) dst(%dma_wait3A_58 : memref<224x128xf32, #tpu.memory_space<hbm>>)
        tpu.yield
      }) : () -> ()
      %barrier3A_51 = arith.constant 0 : index
      tpu.barrier barrier_id(%barrier3A_51)
      %scan3A_52 = arith.constant 0 : i32
      scf.yield %scan3A_52 : i32
    }
    %scan3A_28 = arith.constant 3 : i32
    %scan3A_29 = arith.constant 0 : i32
    %scan3A_30 = arith.constant 0 : i32
    %scan3A_31 = arith.constant 2 : i32
    %scan3A_32 = arith.addi %scan3A_30, %scan3A_31 : i32
    %scan3A_33 = arith.constant 1 : i32
    %scan3A_34 = scf.for %scan3A_36 = %scan3A_30 to %scan3A_32 step %scan3A_33 iter_args(%scan3A_37 = %scan3A_29) -> (i32)  : i32 {
      %mul3A_38 = arith.constant 2 : i32
      %mul3A_39 = arith.muli %mul3A_38, %scan3A_36 : i32
      %add3A = arith.addi %mul3A_39, %arg0 : i32
      %lt3A = arith.constant 3 : i32
      %lt3A_40 = arith.cmpi slt, %add3A, %lt3A : i32
      %convert_element_type3A = arith.extui %lt3A_40 : i1 to i32
      %cond3A = arith.constant 0 : i32
      %cond3A_41 = arith.cmpi ne, %convert_element_type3A, %cond3A : i32
      scf.if %cond3A_41 {
        "tpu.region"() ({
          %run_scoped3A = tpu.sem_alloc : memref<!tpu.dma_semaphore, #tpu.memory_space<semaphore_mem>>
          %dma_start3A = arith.constant 0 : i32
          %dma_start3A_58 = tpu.memref_slice %arg6[%multiple_of3A, %dma_start3A] : memref<3592x128xf32, #tpu.memory_space<vmem_shared>> -> memref<224x128xf32, #tpu.memory_space<vmem_shared>>
          %dma_start3A_59 = arith.constant 0 : i32
          %dma_start3A_60 = tpu.memref_slice %arg6[%multiple_of3A, %dma_start3A_59] : memref<3592x128xf32, #tpu.memory_space<vmem_shared>> -> memref<224x128xf32, #tpu.memory_space<vmem_shared>>
          tpu.enqueue_dma source(%arg7 : memref<224x128xf32, #tpu.memory_space<vmem>>) target(%dma_start3A_60 : memref<224x128xf32, #tpu.memory_space<vmem_shared>>) target_semaphore(%run_scoped3A : memref<!tpu.dma_semaphore, #tpu.memory_space<semaphore_mem>>)
          %dma_wait3A = arith.constant 0 : i32
          %dma_wait3A_61 = tpu.memref_slice %arg6[%multiple_of3A, %dma_wait3A] : memref<3592x128xf32, #tpu.memory_space<vmem_shared>> -> memref<224x128xf32, #tpu.memory_space<vmem_shared>>
          %dma_wait3A_62 = arith.constant 0 : i32
          %dma_wait3A_63 = tpu.memref_slice %arg6[%multiple_of3A, %dma_wait3A_62] : memref<3592x128xf32, #tpu.memory_space<vmem_shared>> -> memref<224x128xf32, #tpu.memory_space<vmem_shared>>
          tpu.wait_dma2 semaphore(%run_scoped3A : memref<!tpu.dma_semaphore, #tpu.memory_space<semaphore_mem>>) src(%arg7 : memref<224x128xf32, #tpu.memory_space<vmem>>) dst(%dma_wait3A_63 : memref<224x128xf32, #tpu.memory_space<vmem_shared>>)
          tpu.yield
        }) : () -> ()
        %barrier3A = arith.constant 0 : index
        tpu.barrier barrier_id(%barrier3A)
        %mul3A_43 = arith.constant 3584 : i32
        %mul3A_44 = arith.muli %add3A, %mul3A_43 : i32
        %scan3A_45 = arith.constant 0 : i32
        %scan3A_46 = arith.constant 0 : i32
        %scan3A_47 = arith.constant 79 : i32
        %scan3A_48 = arith.addi %scan3A_46, %scan3A_47 : i32
        %scan3A_49 = arith.constant 1 : i32
        %scan3A_50 = scf.for %scan3A_58 = %scan3A_46 to %scan3A_48 step %scan3A_49 iter_args(%scan3A_59 = %scan3A_45) -> (i32)  : i32 {
          %mul3A_60 = arith.constant 128 : i32
          %mul3A_61 = arith.muli %scan3A_58, %mul3A_60 : i32
          %add3A_62 = arith.addi %mul3A_0, %mul3A_61 : i32
          %mul3A_63 = arith.constant 2 : i32
          %mul3A_64 = arith.muli %mul3A_63, %add3A_62 : i32
          %add3A_65 = arith.constant 128 : i32
          %add3A_66 = arith.addi %mul3A_64, %add3A_65 : i32
          %multiple_of3A_67 = tpu.assume_multiple %add3A_66, 128 : i32
          "tpu.region"() ({
            %run_scoped3A = tpu.sem_alloc : memref<!tpu.dma_semaphore, #tpu.memory_space<semaphore_mem>>
            %dma_start3A = tpu.memref_slice %arg3[%multiple_of3A_67] : memref<323584xi32, #tpu.memory_space<hbm>> -> memref<128xi32, #tpu.memory_space<hbm>>
            %dma_start3A_214 = tpu.memref_slice %arg3[%multiple_of3A_67] : memref<323584xi32, #tpu.memory_space<hbm>> -> memref<128xi32, #tpu.memory_space<hbm>>
            tpu.enqueue_dma source(%dma_start3A_214 : memref<128xi32, #tpu.memory_space<hbm>>) target(%arg11 : memref<128xi32, #tpu.memory_space<vmem>>) target_semaphore(%run_scoped3A : memref<!tpu.dma_semaphore, #tpu.memory_space<semaphore_mem>>)
            %dma_wait3A = tpu.memref_slice %arg3[%multiple_of3A_67] : memref<323584xi32, #tpu.memory_space<hbm>> -> memref<128xi32, #tpu.memory_space<hbm>>
            %dma_wait3A_215 = tpu.memref_slice %arg3[%multiple_of3A_67] : memref<323584xi32, #tpu.memory_space<hbm>> -> memref<128xi32, #tpu.memory_space<hbm>>
            tpu.wait_dma2 semaphore(%run_scoped3A : memref<!tpu.dma_semaphore, #tpu.memory_space<semaphore_mem>>) src(%dma_wait3A_215 : memref<128xi32, #tpu.memory_space<hbm>>) dst(%arg11 : memref<128xi32, #tpu.memory_space<vmem>>)
            tpu.yield
          }) : () -> ()
          %get3A = arith.constant 0 : index
          %get3A_68 = tpu.vector_load %arg11[%get3A] {strides = array<i32>} : memref<128xi32, #tpu.memory_space<vmem>>, vector<16xi32>,
          %get3A_69 = vector.shape_cast %get3A_68 : vector<16xi32> to vector<16xi32>
          %sub3A = vector.broadcast %mul3A_44 : i32 to vector<16xi32>
          %sub3A_70 = arith.subi %get3A_69, %sub3A : vector<16xi32>
          %ge3A = arith.constant 0 : i32
          %ge3A_71 = vector.broadcast %ge3A : i32 to vector<16xi32>
          %ge3A_72 = arith.cmpi sge, %sub3A_70, %ge3A_71 : vector<16xi32>
          %lt3A_73 = arith.constant 3584 : i32
          %lt3A_74 = vector.broadcast %lt3A_73 : i32 to vector<16xi32>
          %lt3A_75 = arith.cmpi slt, %sub3A_70, %lt3A_74 : vector<16xi32>
          %and3A = arith.andi %ge3A_72, %lt3A_75 : vector<16xi1>
          %jit3A = arith.constant 3584 : i32
          %broadcast_in_dim3A_76 = vector.broadcast %jit3A : i32 to vector<16xi32>
          %select_n3A = arith.select %and3A, %sub3A_70, %broadcast_in_dim3A_76 : vector<16xi1>, vector<16xi32>
          %swap3A = arith.constant 0 : index
          %swap3A_77 = tpu.vector_load %arg11[%swap3A] {strides = array<i32>} : memref<128xi32, #tpu.memory_space<vmem>>, vector<16xi32>,
          %swap3A_78 = vector.shape_cast %swap3A_77 : vector<16xi32> to vector<16xi32>
          %swap3A_79 = vector.shape_cast %select_n3A : vector<16xi32> to vector<16xi32>
          tpu.vector_store %arg11[%swap3A], %swap3A_79 {strides = array<i32>} : memref<128xi32, #tpu.memory_space<vmem>>, vector<16xi32>,
          %get3A_80 = arith.constant 16 : index
          %get3A_81 = tpu.vector_load %arg11[%get3A_80] {strides = array<i32>} : memref<128xi32, #tpu.memory_space<vmem>>, vector<16xi32>,
          %get3A_82 = vector.shape_cast %get3A_81 : vector<16xi32> to vector<16xi32>
          %sub3A_83 = vector.broadcast %mul3A_44 : i32 to vector<16xi32>
          %sub3A_84 = arith.subi %get3A_82, %sub3A_83 : vector<16xi32>
          %ge3A_85 = arith.constant 0 : i32
          %ge3A_86 = vector.broadcast %ge3A_85 : i32 to vector<16xi32>
          %ge3A_87 = arith.cmpi sge, %sub3A_84, %ge3A_86 : vector<16xi32>
          %lt3A_88 = arith.constant 3584 : i32
          %lt3A_89 = vector.broadcast %lt3A_88 : i32 to vector<16xi32>
          %lt3A_90 = arith.cmpi slt, %sub3A_84, %lt3A_89 : vector<16xi32>
          %and3A_91 = arith.andi %ge3A_87, %lt3A_90 : vector<16xi1>
          %jit3A_92 = arith.constant 3584 : i32
          %broadcast_in_dim3A_93 = vector.broadcast %jit3A_92 : i32 to vector<16xi32>
          %select_n3A_94 = arith.select %and3A_91, %sub3A_84, %broadcast_in_dim3A_93 : vector<16xi1>, vector<16xi32>
          %swap3A_95 = arith.constant 16 : index
          %swap3A_96 = tpu.vector_load %arg11[%swap3A_95] {strides = array<i32>} : memref<128xi32, #tpu.memory_space<vmem>>, vector<16xi32>,
          %swap3A_97 = vector.shape_cast %swap3A_96 : vector<16xi32> to vector<16xi32>
          %swap3A_98 = vector.shape_cast %select_n3A_94 : vector<16xi32> to vector<16xi32>
          tpu.vector_store %arg11[%swap3A_95], %swap3A_98 {strides = array<i32>} : memref<128xi32, #tpu.memory_space<vmem>>, vector<16xi32>,
          %get3A_99 = arith.constant 32 : index
          %get3A_100 = tpu.vector_load %arg11[%get3A_99] {strides = array<i32>} : memref<128xi32, #tpu.memory_space<vmem>>, vector<16xi32>,
          %get3A_101 = vector.shape_cast %get3A_100 : vector<16xi32> to vector<16xi32>
          %sub3A_102 = vector.broadcast %mul3A_44 : i32 to vector<16xi32>
          %sub3A_103 = arith.subi %get3A_101, %sub3A_102 : vector<16xi32>
          %ge3A_104 = arith.constant 0 : i32
          %ge3A_105 = vector.broadcast %ge3A_104 : i32 to vector<16xi32>
          %ge3A_106 = arith.cmpi sge, %sub3A_103, %ge3A_105 : vector<16xi32>
          %lt3A_107 = arith.constant 3584 : i32
          %lt3A_108 = vector.broadcast %lt3A_107 : i32 to vector<16xi32>
          %lt3A_109 = arith.cmpi slt, %sub3A_103, %lt3A_108 : vector<16xi32>
          %and3A_110 = arith.andi %ge3A_106, %lt3A_109 : vector<16xi1>
          %jit3A_111 = arith.constant 3584 : i32
          %broadcast_in_dim3A_112 = vector.broadcast %jit3A_111 : i32 to vector<16xi32>
          %select_n3A_113 = arith.select %and3A_110, %sub3A_103, %broadcast_in_dim3A_112 : vector<16xi1>, vector<16xi32>
          %swap3A_114 = arith.constant 32 : index
          %swap3A_115 = tpu.vector_load %arg11[%swap3A_114] {strides = array<i32>} : memref<128xi32, #tpu.memory_space<vmem>>, vector<16xi32>,
          %swap3A_116 = vector.shape_cast %swap3A_115 : vector<16xi32> to vector<16xi32>
          %swap3A_117 = vector.shape_cast %select_n3A_113 : vector<16xi32> to vector<16xi32>
          tpu.vector_store %arg11[%swap3A_114], %swap3A_117 {strides = array<i32>} : memref<128xi32, #tpu.memory_space<vmem>>, vector<16xi32>,
          %get3A_118 = arith.constant 48 : index
          %get3A_119 = tpu.vector_load %arg11[%get3A_118] {strides = array<i32>} : memref<128xi32, #tpu.memory_space<vmem>>, vector<16xi32>,
          %get3A_120 = vector.shape_cast %get3A_119 : vector<16xi32> to vector<16xi32>
          %sub3A_121 = vector.broadcast %mul3A_44 : i32 to vector<16xi32>
          %sub3A_122 = arith.subi %get3A_120, %sub3A_121 : vector<16xi32>
          %ge3A_123 = arith.constant 0 : i32
          %ge3A_124 = vector.broadcast %ge3A_123 : i32 to vector<16xi32>
          %ge3A_125 = arith.cmpi sge, %sub3A_122, %ge3A_124 : vector<16xi32>
          %lt3A_126 = arith.constant 3584 : i32
          %lt3A_127 = vector.broadcast %lt3A_126 : i32 to vector<16xi32>
          %lt3A_128 = arith.cmpi slt, %sub3A_122, %lt3A_127 : vector<16xi32>
          %and3A_129 = arith.andi %ge3A_125, %lt3A_128 : vector<16xi1>
          %jit3A_130 = arith.constant 3584 : i32
          %broadcast_in_dim3A_131 = vector.broadcast %jit3A_130 : i32 to vector<16xi32>
          %select_n3A_132 = arith.select %and3A_129, %sub3A_122, %broadcast_in_dim3A_131 : vector<16xi1>, vector<16xi32>
          %swap3A_133 = arith.constant 48 : index
          %swap3A_134 = tpu.vector_load %arg11[%swap3A_133] {strides = array<i32>} : memref<128xi32, #tpu.memory_space<vmem>>, vector<16xi32>,
          %swap3A_135 = vector.shape_cast %swap3A_134 : vector<16xi32> to vector<16xi32>
          %swap3A_136 = vector.shape_cast %select_n3A_132 : vector<16xi32> to vector<16xi32>
          tpu.vector_store %arg11[%swap3A_133], %swap3A_136 {strides = array<i32>} : memref<128xi32, #tpu.memory_space<vmem>>, vector<16xi32>,
          %get3A_137 = arith.constant 64 : index
          %get3A_138 = tpu.vector_load %arg11[%get3A_137] {strides = array<i32>} : memref<128xi32, #tpu.memory_space<vmem>>, vector<16xi32>,
          %get3A_139 = vector.shape_cast %get3A_138 : vector<16xi32> to vector<16xi32>
          %sub3A_140 = vector.broadcast %mul3A_44 : i32 to vector<16xi32>
          %sub3A_141 = arith.subi %get3A_139, %sub3A_140 : vector<16xi32>
          %ge3A_142 = arith.constant 0 : i32
          %ge3A_143 = vector.broadcast %ge3A_142 : i32 to vector<16xi32>
          %ge3A_144 = arith.cmpi sge, %sub3A_141, %ge3A_143 : vector<16xi32>
          %lt3A_145 = arith.constant 3584 : i32
          %lt3A_146 = vector.broadcast %lt3A_145 : i32 to vector<16xi32>
          %lt3A_147 = arith.cmpi slt, %sub3A_141, %lt3A_146 : vector<16xi32>
          %and3A_148 = arith.andi %ge3A_144, %lt3A_147 : vector<16xi1>
          %jit3A_149 = arith.constant 3584 : i32
          %broadcast_in_dim3A_150 = vector.broadcast %jit3A_149 : i32 to vector<16xi32>
          %select_n3A_151 = arith.select %and3A_148, %sub3A_141, %broadcast_in_dim3A_150 : vector<16xi1>, vector<16xi32>
          %swap3A_152 = arith.constant 64 : index
          %swap3A_153 = tpu.vector_load %arg11[%swap3A_152] {strides = array<i32>} : memref<128xi32, #tpu.memory_space<vmem>>, vector<16xi32>,
          %swap3A_154 = vector.shape_cast %swap3A_153 : vector<16xi32> to vector<16xi32>
          %swap3A_155 = vector.shape_cast %select_n3A_151 : vector<16xi32> to vector<16xi32>
          tpu.vector_store %arg11[%swap3A_152], %swap3A_155 {strides = array<i32>} : memref<128xi32, #tpu.memory_space<vmem>>, vector<16xi32>,
          %get3A_156 = arith.constant 80 : index
          %get3A_157 = tpu.vector_load %arg11[%get3A_156] {strides = array<i32>} : memref<128xi32, #tpu.memory_space<vmem>>, vector<16xi32>,
          %get3A_158 = vector.shape_cast %get3A_157 : vector<16xi32> to vector<16xi32>
          %sub3A_159 = vector.broadcast %mul3A_44 : i32 to vector<16xi32>
          %sub3A_160 = arith.subi %get3A_158, %sub3A_159 : vector<16xi32>
          %ge3A_161 = arith.constant 0 : i32
          %ge3A_162 = vector.broadcast %ge3A_161 : i32 to vector<16xi32>
          %ge3A_163 = arith.cmpi sge, %sub3A_160, %ge3A_162 : vector<16xi32>
          %lt3A_164 = arith.constant 3584 : i32
          %lt3A_165 = vector.broadcast %lt3A_164 : i32 to vector<16xi32>
          %lt3A_166 = arith.cmpi slt, %sub3A_160, %lt3A_165 : vector<16xi32>
          %and3A_167 = arith.andi %ge3A_163, %lt3A_166 : vector<16xi1>
          %jit3A_168 = arith.constant 3584 : i32
          %broadcast_in_dim3A_169 = vector.broadcast %jit3A_168 : i32 to vector<16xi32>
          %select_n3A_170 = arith.select %and3A_167, %sub3A_160, %broadcast_in_dim3A_169 : vector<16xi1>, vector<16xi32>
          %swap3A_171 = arith.constant 80 : index
          %swap3A_172 = tpu.vector_load %arg11[%swap3A_171] {strides = array<i32>} : memref<128xi32, #tpu.memory_space<vmem>>, vector<16xi32>,
          %swap3A_173 = vector.shape_cast %swap3A_172 : vector<16xi32> to vector<16xi32>
          %swap3A_174 = vector.shape_cast %select_n3A_170 : vector<16xi32> to vector<16xi32>
          tpu.vector_store %arg11[%swap3A_171], %swap3A_174 {strides = array<i32>} : memref<128xi32, #tpu.memory_space<vmem>>, vector<16xi32>,
          %get3A_175 = arith.constant 96 : index
          %get3A_176 = tpu.vector_load %arg11[%get3A_175] {strides = array<i32>} : memref<128xi32, #tpu.memory_space<vmem>>, vector<16xi32>,
          %get3A_177 = vector.shape_cast %get3A_176 : vector<16xi32> to vector<16xi32>
          %sub3A_178 = vector.broadcast %mul3A_44 : i32 to vector<16xi32>
          %sub3A_179 = arith.subi %get3A_177, %sub3A_178 : vector<16xi32>
          %ge3A_180 = arith.constant 0 : i32
          %ge3A_181 = vector.broadcast %ge3A_180 : i32 to vector<16xi32>
          %ge3A_182 = arith.cmpi sge, %sub3A_179, %ge3A_181 : vector<16xi32>
          %lt3A_183 = arith.constant 3584 : i32
          %lt3A_184 = vector.broadcast %lt3A_183 : i32 to vector<16xi32>
          %lt3A_185 = arith.cmpi slt, %sub3A_179, %lt3A_184 : vector<16xi32>
          %and3A_186 = arith.andi %ge3A_182, %lt3A_185 : vector<16xi1>
          %jit3A_187 = arith.constant 3584 : i32
          %broadcast_in_dim3A_188 = vector.broadcast %jit3A_187 : i32 to vector<16xi32>
          %select_n3A_189 = arith.select %and3A_186, %sub3A_179, %broadcast_in_dim3A_188 : vector<16xi1>, vector<16xi32>
          %swap3A_190 = arith.constant 96 : index
          %swap3A_191 = tpu.vector_load %arg11[%swap3A_190] {strides = array<i32>} : memref<128xi32, #tpu.memory_space<vmem>>, vector<16xi32>,
          %swap3A_192 = vector.shape_cast %swap3A_191 : vector<16xi32> to vector<16xi32>
          %swap3A_193 = vector.shape_cast %select_n3A_189 : vector<16xi32> to vector<16xi32>
          tpu.vector_store %arg11[%swap3A_190], %swap3A_193 {strides = array<i32>} : memref<128xi32, #tpu.memory_space<vmem>>, vector<16xi32>,
          %get3A_194 = arith.constant 112 : index
          %get3A_195 = tpu.vector_load %arg11[%get3A_194] {strides = array<i32>} : memref<128xi32, #tpu.memory_space<vmem>>, vector<16xi32>,
          %get3A_196 = vector.shape_cast %get3A_195 : vector<16xi32> to vector<16xi32>
          %sub3A_197 = vector.broadcast %mul3A_44 : i32 to vector<16xi32>
          %sub3A_198 = arith.subi %get3A_196, %sub3A_197 : vector<16xi32>
          %ge3A_199 = arith.constant 0 : i32
          %ge3A_200 = vector.broadcast %ge3A_199 : i32 to vector<16xi32>
          %ge3A_201 = arith.cmpi sge, %sub3A_198, %ge3A_200 : vector<16xi32>
          %lt3A_202 = arith.constant 3584 : i32
          %lt3A_203 = vector.broadcast %lt3A_202 : i32 to vector<16xi32>
          %lt3A_204 = arith.cmpi slt, %sub3A_198, %lt3A_203 : vector<16xi32>
          %and3A_205 = arith.andi %ge3A_201, %lt3A_204 : vector<16xi1>
          %jit3A_206 = arith.constant 3584 : i32
          %broadcast_in_dim3A_207 = vector.broadcast %jit3A_206 : i32 to vector<16xi32>
          %select_n3A_208 = arith.select %and3A_205, %sub3A_198, %broadcast_in_dim3A_207 : vector<16xi1>, vector<16xi32>
          %swap3A_209 = arith.constant 112 : index
          %swap3A_210 = tpu.vector_load %arg11[%swap3A_209] {strides = array<i32>} : memref<128xi32, #tpu.memory_space<vmem>>, vector<16xi32>,
          %swap3A_211 = vector.shape_cast %swap3A_210 : vector<16xi32> to vector<16xi32>
          %swap3A_212 = vector.shape_cast %select_n3A_208 : vector<16xi32> to vector<16xi32>
          tpu.vector_store %arg11[%swap3A_209], %swap3A_212 {strides = array<i32>} : memref<128xi32, #tpu.memory_space<vmem>>, vector<16xi32>,
          "tpu.region"() ({
            %run_scoped3A = tpu.sem_alloc : memref<!tpu.dma_semaphore, #tpu.memory_space<semaphore_mem>>
            %dma_start3A = arith.constant 0 : i32
            %dma_start3A_214 = arith.constant 0 : i32
            %dma_start3A_215 = tpu.memref_slice %arg6[%dma_start3A, %dma_start3A_214] : memref<3592x128xf32, #tpu.memory_space<vmem_shared>> -> memref<3592x128xf32, #tpu.memory_space<vmem_shared>>
            tpu.enqueue_indirect_dma source(%arg8 : memref<128x128xf32, #tpu.memory_space<vmem>>) target(%dma_start3A_215 : memref<3592x128xf32, #tpu.memory_space<vmem_shared>>) offsets(%arg11 : memref<128xi32, #tpu.memory_space<vmem>>) semaphore(%run_scoped3A : memref<!tpu.dma_semaphore, #tpu.memory_space<semaphore_mem>>) {add = true}
            %dma_wait3A = arith.constant 0 : i32
            %dma_wait3A_216 = arith.constant 0 : i32
            %dma_wait3A_217 = tpu.memref_slice %arg6[%dma_wait3A, %dma_wait3A_216] : memref<3592x128xf32, #tpu.memory_space<vmem_shared>> -> memref<3592x128xf32, #tpu.memory_space<vmem_shared>>
            tpu.wait_indirect_dma semaphore(%run_scoped3A : memref<!tpu.dma_semaphore, #tpu.memory_space<semaphore_mem>>) src(%arg8 : memref<128x128xf32, #tpu.memory_space<vmem>>) dst(%dma_wait3A_217 : memref<3592x128xf32, #tpu.memory_space<vmem_shared>>)
            tpu.yield
          }) : () -> ()
          %scan3A_213 = arith.constant 0 : i32
          scf.yield %scan3A_213 : i32
        }
        %scan3A_51 = arith.constant 79 : i32
        %barrier3A_52 = arith.constant 0 : index
        tpu.barrier barrier_id(%barrier3A_52)
        %mul3A_53 = arith.constant 224 : i32
        %mul3A_54 = arith.muli %arg1, %mul3A_53 : i32
        %add3A_55 = arith.addi %mul3A_44, %mul3A_54 : i32
        %multiple_of3A_56 = tpu.assume_multiple %add3A_55, 8 : i32
        "tpu.region"() ({
          %run_scoped3A = tpu.sem_alloc : memref<!tpu.dma_semaphore, #tpu.memory_space<semaphore_mem>>
          %dma_start3A = arith.constant 0 : i32
          %dma_start3A_58 = tpu.memref_slice %arg5[%multiple_of3A_56, %dma_start3A] : memref<10752x128xf32, #tpu.memory_space<hbm>> -> memref<224x128xf32, #tpu.memory_space<hbm>>
          %dma_start3A_59 = arith.constant 0 : i32
          %dma_start3A_60 = tpu.memref_slice %arg6[%multiple_of3A_21, %dma_start3A_59] : memref<3592x128xf32, #tpu.memory_space<vmem_shared>> -> memref<224x128xf32, #tpu.memory_space<vmem_shared>>
          tpu.enqueue_dma source(%dma_start3A_60 : memref<224x128xf32, #tpu.memory_space<vmem_shared>>) target(%dma_start3A_58 : memref<224x128xf32, #tpu.memory_space<hbm>>) target_semaphore(%run_scoped3A : memref<!tpu.dma_semaphore, #tpu.memory_space<semaphore_mem>>)
          %dma_wait3A = arith.constant 0 : i32
          %dma_wait3A_61 = tpu.memref_slice %arg5[%multiple_of3A_56, %dma_wait3A] : memref<10752x128xf32, #tpu.memory_space<hbm>> -> memref<224x128xf32, #tpu.memory_space<hbm>>
          %dma_wait3A_62 = arith.constant 0 : i32
          %dma_wait3A_63 = tpu.memref_slice %arg6[%multiple_of3A_21, %dma_wait3A_62] : memref<3592x128xf32, #tpu.memory_space<vmem_shared>> -> memref<224x128xf32, #tpu.memory_space<vmem_shared>>
          tpu.wait_dma2 semaphore(%run_scoped3A : memref<!tpu.dma_semaphore, #tpu.memory_space<semaphore_mem>>) src(%dma_wait3A_63 : memref<224x128xf32, #tpu.memory_space<vmem_shared>>) dst(%dma_wait3A_61 : memref<224x128xf32, #tpu.memory_space<hbm>>)
          tpu.yield
        }) : () -> ()
        %barrier3A_57 = arith.constant 0 : index
        tpu.barrier barrier_id(%barrier3A_57)
      } else {
      }
      %scan3A_42 = arith.constant 0 : i32
      scf.yield %scan3A_42 : i32
    }
    %scan3A_35 = arith.constant 2 : i32
    return
  }
}

#map = affine_map<(d0, d1) -> (0, 0)>
#map1 = affine_map<(d0, d1) -> (0)>
#map2 = affine_map<(d0, d1) -> (0, 0, 0)>
module attributes {stable_mosaic.version = 14 : i64} {
  func.func @agg(%arg0: i32, %arg1: i32, %arg2: memref<20000x128xf32, #tpu.memory_space<hbm>>, %arg3: memref<323584xi32, #tpu.memory_space<hbm>>, %arg4: memref<2x10752x128xf32, #tpu.memory_space<hbm>>, %arg5: memref<3592x128xf32, #tpu.memory_space<vmem_shared>>, %arg6: memref<224x128xf32, #tpu.memory_space<vmem>>, %arg7: memref<128x128xf32, #tpu.memory_space<vmem>>, %arg8: memref<256xi32, #tpu.memory_space<vmem>>, %arg9: memref<128xi32, #tpu.memory_space<vmem>>, %arg10: memref<128xi32, #tpu.memory_space<vmem>>, %arg11: memref<128x128xf32, #tpu.memory_space<vmem>>, %arg12: memref<!tpu.dma_semaphore, #tpu.memory_space<semaphore_mem>>) attributes {dimension_semantics = [#tpu.dimension_semantics<core_parallel>, #tpu.dimension_semantics<subcore_parallel>], iteration_bounds = array<i64: 2, 16>, scalar_prefetch = 0 : i64, scratch_operands = 8 : i64, tpu.core_type = #tpu.core_type<sc_vector_subcore>, window_params = [{transform_indices = #map}, {transform_indices = #map1}, {transform_indices = #map2}]} {
    %mul3A = arith.constant 10112 : i32
    %mul3A_0 = arith.muli %arg1, %mul3A : i32
    %broadcast_in_dim3A = arith.constant 0.000000e+00 : f32
    %broadcast_in_dim3A_1 = vector.broadcast %broadcast_in_dim3A : f32 to vector<16xf32>
    %broadcast_in_dim3A_2 = arith.constant 1.000000e+00 : f32
    %broadcast_in_dim3A_3 = vector.broadcast %broadcast_in_dim3A_2 : f32 to vector<16xf32>
    %scan3A = arith.constant 0 : i32
    %scan3A_4 = arith.constant 0 : i32
    %scan3A_5 = arith.constant 224 : i32
    %scan3A_6 = arith.addi %scan3A_4, %scan3A_5 : i32
    %scan3A_7 = arith.constant 1 : i32
    %scan3A_8 = scf.for %scan3A_22 = %scan3A_4 to %scan3A_6 step %scan3A_7 iter_args(%scan3A_23 = %scan3A) -> (i32)  : i32 {
      %swap3A = arith.index_cast %scan3A_22 : i32 to index
      %swap3A_24 = arith.constant 0 : index
      %swap3A_25 = tpu.vector_load %arg6[%swap3A, %swap3A_24] {strides = array<i32>} : memref<224x128xf32, #tpu.memory_space<vmem>>, vector<1x16xf32>,
      %swap3A_26 = vector.shape_cast %swap3A_25 : vector<1x16xf32> to vector<16xf32>
      %swap3A_27 = vector.shape_cast %broadcast_in_dim3A_1 : vector<16xf32> to vector<1x16xf32>
      tpu.vector_store %arg6[%swap3A, %swap3A_24], %swap3A_27 {strides = array<i32>} : memref<224x128xf32, #tpu.memory_space<vmem>>, vector<1x16xf32>,
      %swap3A_28 = arith.index_cast %scan3A_22 : i32 to index
      %swap3A_29 = arith.constant 16 : index
      %swap3A_30 = tpu.vector_load %arg6[%swap3A_28, %swap3A_29] {strides = array<i32>} : memref<224x128xf32, #tpu.memory_space<vmem>>, vector<1x16xf32>,
      %swap3A_31 = vector.shape_cast %swap3A_30 : vector<1x16xf32> to vector<16xf32>
      %swap3A_32 = vector.shape_cast %broadcast_in_dim3A_1 : vector<16xf32> to vector<1x16xf32>
      tpu.vector_store %arg6[%swap3A_28, %swap3A_29], %swap3A_32 {strides = array<i32>} : memref<224x128xf32, #tpu.memory_space<vmem>>, vector<1x16xf32>,
      %swap3A_33 = arith.index_cast %scan3A_22 : i32 to index
      %swap3A_34 = arith.constant 32 : index
      %swap3A_35 = tpu.vector_load %arg6[%swap3A_33, %swap3A_34] {strides = array<i32>} : memref<224x128xf32, #tpu.memory_space<vmem>>, vector<1x16xf32>,
      %swap3A_36 = vector.shape_cast %swap3A_35 : vector<1x16xf32> to vector<16xf32>
      %swap3A_37 = vector.shape_cast %broadcast_in_dim3A_1 : vector<16xf32> to vector<1x16xf32>
      tpu.vector_store %arg6[%swap3A_33, %swap3A_34], %swap3A_37 {strides = array<i32>} : memref<224x128xf32, #tpu.memory_space<vmem>>, vector<1x16xf32>,
      %swap3A_38 = arith.index_cast %scan3A_22 : i32 to index
      %swap3A_39 = arith.constant 48 : index
      %swap3A_40 = tpu.vector_load %arg6[%swap3A_38, %swap3A_39] {strides = array<i32>} : memref<224x128xf32, #tpu.memory_space<vmem>>, vector<1x16xf32>,
      %swap3A_41 = vector.shape_cast %swap3A_40 : vector<1x16xf32> to vector<16xf32>
      %swap3A_42 = vector.shape_cast %broadcast_in_dim3A_1 : vector<16xf32> to vector<1x16xf32>
      tpu.vector_store %arg6[%swap3A_38, %swap3A_39], %swap3A_42 {strides = array<i32>} : memref<224x128xf32, #tpu.memory_space<vmem>>, vector<1x16xf32>,
      %swap3A_43 = arith.index_cast %scan3A_22 : i32 to index
      %swap3A_44 = arith.constant 64 : index
      %swap3A_45 = tpu.vector_load %arg6[%swap3A_43, %swap3A_44] {strides = array<i32>} : memref<224x128xf32, #tpu.memory_space<vmem>>, vector<1x16xf32>,
      %swap3A_46 = vector.shape_cast %swap3A_45 : vector<1x16xf32> to vector<16xf32>
      %swap3A_47 = vector.shape_cast %broadcast_in_dim3A_1 : vector<16xf32> to vector<1x16xf32>
      tpu.vector_store %arg6[%swap3A_43, %swap3A_44], %swap3A_47 {strides = array<i32>} : memref<224x128xf32, #tpu.memory_space<vmem>>, vector<1x16xf32>,
      %swap3A_48 = arith.index_cast %scan3A_22 : i32 to index
      %swap3A_49 = arith.constant 80 : index
      %swap3A_50 = tpu.vector_load %arg6[%swap3A_48, %swap3A_49] {strides = array<i32>} : memref<224x128xf32, #tpu.memory_space<vmem>>, vector<1x16xf32>,
      %swap3A_51 = vector.shape_cast %swap3A_50 : vector<1x16xf32> to vector<16xf32>
      %swap3A_52 = vector.shape_cast %broadcast_in_dim3A_1 : vector<16xf32> to vector<1x16xf32>
      tpu.vector_store %arg6[%swap3A_48, %swap3A_49], %swap3A_52 {strides = array<i32>} : memref<224x128xf32, #tpu.memory_space<vmem>>, vector<1x16xf32>,
      %swap3A_53 = arith.index_cast %scan3A_22 : i32 to index
      %swap3A_54 = arith.constant 96 : index
      %swap3A_55 = tpu.vector_load %arg6[%swap3A_53, %swap3A_54] {strides = array<i32>} : memref<224x128xf32, #tpu.memory_space<vmem>>, vector<1x16xf32>,
      %swap3A_56 = vector.shape_cast %swap3A_55 : vector<1x16xf32> to vector<16xf32>
      %swap3A_57 = vector.shape_cast %broadcast_in_dim3A_1 : vector<16xf32> to vector<1x16xf32>
      tpu.vector_store %arg6[%swap3A_53, %swap3A_54], %swap3A_57 {strides = array<i32>} : memref<224x128xf32, #tpu.memory_space<vmem>>, vector<1x16xf32>,
      %swap3A_58 = arith.index_cast %scan3A_22 : i32 to index
      %swap3A_59 = arith.constant 112 : index
      %swap3A_60 = tpu.vector_load %arg6[%swap3A_58, %swap3A_59] {strides = array<i32>} : memref<224x128xf32, #tpu.memory_space<vmem>>, vector<1x16xf32>,
      %swap3A_61 = vector.shape_cast %swap3A_60 : vector<1x16xf32> to vector<16xf32>
      %swap3A_62 = vector.shape_cast %broadcast_in_dim3A_1 : vector<16xf32> to vector<1x16xf32>
      tpu.vector_store %arg6[%swap3A_58, %swap3A_59], %swap3A_62 {strides = array<i32>} : memref<224x128xf32, #tpu.memory_space<vmem>>, vector<1x16xf32>,
      %scan3A_63 = arith.constant 0 : i32
      scf.yield %scan3A_63 : i32
    }
    %scan3A_9 = arith.constant 224 : i32
    %mul3A_10 = arith.constant 224 : i32
    %mul3A_11 = arith.muli %arg1, %mul3A_10 : i32
    %multiple_of3A = tpu.assume_multiple %mul3A_11, 8 : i32
    %mul3A_12 = arith.constant 224 : i32
    %mul3A_13 = arith.muli %arg1, %mul3A_12 : i32
    %multiple_of3A_14 = tpu.assume_multiple %mul3A_13, 8 : i32
    %scan3A_15 = arith.constant 0 : i32
    %scan3A_16 = arith.constant 0 : i32
    %scan3A_17 = arith.constant 3 : i32
    %scan3A_18 = arith.addi %scan3A_16, %scan3A_17 : i32
    %scan3A_19 = arith.constant 1 : i32
    %scan3A_20 = scf.for %scan3A_22 = %scan3A_16 to %scan3A_18 step %scan3A_19 iter_args(%scan3A_23 = %scan3A_15) -> (i32)  : i32 {
      "tpu.region"() ({
        %run_scoped3A = tpu.sem_alloc : memref<!tpu.dma_semaphore, #tpu.memory_space<semaphore_mem>>
        %dma_start3A = arith.constant 0 : i32
        %dma_start3A_39 = tpu.memref_slice %arg5[%multiple_of3A, %dma_start3A] : memref<3592x128xf32, #tpu.memory_space<vmem_shared>> -> memref<224x128xf32, #tpu.memory_space<vmem_shared>>
        %dma_start3A_40 = arith.constant 0 : i32
        %dma_start3A_41 = tpu.memref_slice %arg5[%multiple_of3A, %dma_start3A_40] : memref<3592x128xf32, #tpu.memory_space<vmem_shared>> -> memref<224x128xf32, #tpu.memory_space<vmem_shared>>
        tpu.enqueue_dma source(%arg6 : memref<224x128xf32, #tpu.memory_space<vmem>>) target(%dma_start3A_41 : memref<224x128xf32, #tpu.memory_space<vmem_shared>>) target_semaphore(%run_scoped3A : memref<!tpu.dma_semaphore, #tpu.memory_space<semaphore_mem>>)
        %dma_wait3A = arith.constant 0 : i32
        %dma_wait3A_42 = tpu.memref_slice %arg5[%multiple_of3A, %dma_wait3A] : memref<3592x128xf32, #tpu.memory_space<vmem_shared>> -> memref<224x128xf32, #tpu.memory_space<vmem_shared>>
        %dma_wait3A_43 = arith.constant 0 : i32
        %dma_wait3A_44 = tpu.memref_slice %arg5[%multiple_of3A, %dma_wait3A_43] : memref<3592x128xf32, #tpu.memory_space<vmem_shared>> -> memref<224x128xf32, #tpu.memory_space<vmem_shared>>
        tpu.wait_dma2 semaphore(%run_scoped3A : memref<!tpu.dma_semaphore, #tpu.memory_space<semaphore_mem>>) src(%arg6 : memref<224x128xf32, #tpu.memory_space<vmem>>) dst(%dma_wait3A_44 : memref<224x128xf32, #tpu.memory_space<vmem_shared>>)
        tpu.yield
      }) : () -> ()
      %barrier3A = arith.constant 0 : index
      tpu.barrier barrier_id(%barrier3A)
      %mul3A_24 = arith.constant 3584 : i32
      %mul3A_25 = arith.muli %scan3A_22, %mul3A_24 : i32
      %scan3A_26 = arith.constant 0 : i32
      %scan3A_27 = arith.constant 0 : i32
      %scan3A_28 = arith.constant 79 : i32
      %scan3A_29 = arith.addi %scan3A_27, %scan3A_28 : i32
      %scan3A_30 = arith.constant 1 : i32
      %scan3A_31 = scf.for %scan3A_39 = %scan3A_27 to %scan3A_29 step %scan3A_30 iter_args(%scan3A_40 = %scan3A_26) -> (i32)  : i32 {
        %mul3A_41 = arith.constant 128 : i32
        %mul3A_42 = arith.muli %scan3A_39, %mul3A_41 : i32
        %add3A_43 = arith.addi %mul3A_0, %mul3A_42 : i32
        %mul3A_44 = arith.constant 2 : i32
        %mul3A_45 = arith.muli %mul3A_44, %add3A_43 : i32
        %multiple_of3A_46 = tpu.assume_multiple %mul3A_45, 256 : i32
        "tpu.region"() ({
          %run_scoped3A = tpu.sem_alloc : memref<!tpu.dma_semaphore, #tpu.memory_space<semaphore_mem>>
          %dma_start3A_292 = tpu.memref_slice %arg3[%multiple_of3A_46] : memref<323584xi32, #tpu.memory_space<hbm>> -> memref<256xi32, #tpu.memory_space<hbm>>
          %dma_start3A_293 = tpu.memref_slice %arg3[%multiple_of3A_46] : memref<323584xi32, #tpu.memory_space<hbm>> -> memref<256xi32, #tpu.memory_space<hbm>>
          tpu.enqueue_dma source(%dma_start3A_293 : memref<256xi32, #tpu.memory_space<hbm>>) target(%arg8 : memref<256xi32, #tpu.memory_space<vmem>>) target_semaphore(%run_scoped3A : memref<!tpu.dma_semaphore, #tpu.memory_space<semaphore_mem>>)
          %dma_wait3A_294 = tpu.memref_slice %arg3[%multiple_of3A_46] : memref<323584xi32, #tpu.memory_space<hbm>> -> memref<256xi32, #tpu.memory_space<hbm>>
          %dma_wait3A_295 = tpu.memref_slice %arg3[%multiple_of3A_46] : memref<323584xi32, #tpu.memory_space<hbm>> -> memref<256xi32, #tpu.memory_space<hbm>>
          tpu.wait_dma2 semaphore(%run_scoped3A : memref<!tpu.dma_semaphore, #tpu.memory_space<semaphore_mem>>) src(%dma_wait3A_295 : memref<256xi32, #tpu.memory_space<hbm>>) dst(%arg8 : memref<256xi32, #tpu.memory_space<vmem>>)
          tpu.yield
        }) : () -> ()
        %get3A = arith.constant 0 : index
        %get3A_47 = tpu.vector_load %arg8[%get3A] {strides = array<i32>} : memref<256xi32, #tpu.memory_space<vmem>>, vector<16xi32>,
        %get3A_48 = vector.shape_cast %get3A_47 : vector<16xi32> to vector<16xi32>
        %mul3A_49 = arith.constant 2 : i32
        %mul3A_50 = vector.broadcast %mul3A_49 : i32 to vector<16xi32>
        %mul3A_51 = arith.muli %get3A_48, %mul3A_50 : vector<16xi32>
        %add3A_52 = vector.broadcast %arg0 : i32 to vector<16xi32>
        %add3A_53 = arith.addi %mul3A_51, %add3A_52 : vector<16xi32>
        %swap3A = arith.constant 0 : index
        %swap3A_54 = tpu.vector_load %arg9[%swap3A] {strides = array<i32>} : memref<128xi32, #tpu.memory_space<vmem>>, vector<16xi32>,
        %swap3A_55 = vector.shape_cast %swap3A_54 : vector<16xi32> to vector<16xi32>
        %swap3A_56 = vector.shape_cast %add3A_53 : vector<16xi32> to vector<16xi32>
        tpu.vector_store %arg9[%swap3A], %swap3A_56 {strides = array<i32>} : memref<128xi32, #tpu.memory_space<vmem>>, vector<16xi32>,
        %get3A_57 = arith.constant 128 : index
        %get3A_58 = tpu.vector_load %arg8[%get3A_57] {strides = array<i32>} : memref<256xi32, #tpu.memory_space<vmem>>, vector<16xi32>,
        %get3A_59 = vector.shape_cast %get3A_58 : vector<16xi32> to vector<16xi32>
        %sub3A = vector.broadcast %mul3A_25 : i32 to vector<16xi32>
        %sub3A_60 = arith.subi %get3A_59, %sub3A : vector<16xi32>
        %ge3A = arith.constant 0 : i32
        %ge3A_61 = vector.broadcast %ge3A : i32 to vector<16xi32>
        %ge3A_62 = arith.cmpi sge, %sub3A_60, %ge3A_61 : vector<16xi32>
        %lt3A = arith.constant 3584 : i32
        %lt3A_63 = vector.broadcast %lt3A : i32 to vector<16xi32>
        %lt3A_64 = arith.cmpi slt, %sub3A_60, %lt3A_63 : vector<16xi32>
        %and3A = arith.andi %ge3A_62, %lt3A_64 : vector<16xi1>
        %jit3A = arith.constant 3584 : i32
        %broadcast_in_dim3A_65 = vector.broadcast %jit3A : i32 to vector<16xi32>
        %select_n3A = arith.select %and3A, %sub3A_60, %broadcast_in_dim3A_65 : vector<16xi1>, vector<16xi32>
        %swap3A_66 = arith.constant 0 : index
        %swap3A_67 = tpu.vector_load %arg10[%swap3A_66] {strides = array<i32>} : memref<128xi32, #tpu.memory_space<vmem>>, vector<16xi32>,
        %swap3A_68 = vector.shape_cast %swap3A_67 : vector<16xi32> to vector<16xi32>
        %swap3A_69 = vector.shape_cast %select_n3A : vector<16xi32> to vector<16xi32>
        tpu.vector_store %arg10[%swap3A_66], %swap3A_69 {strides = array<i32>} : memref<128xi32, #tpu.memory_space<vmem>>, vector<16xi32>,
        %get3A_70 = arith.constant 16 : index
        %get3A_71 = tpu.vector_load %arg8[%get3A_70] {strides = array<i32>} : memref<256xi32, #tpu.memory_space<vmem>>, vector<16xi32>,
        %get3A_72 = vector.shape_cast %get3A_71 : vector<16xi32> to vector<16xi32>
        %mul3A_73 = arith.constant 2 : i32
        %mul3A_74 = vector.broadcast %mul3A_73 : i32 to vector<16xi32>
        %mul3A_75 = arith.muli %get3A_72, %mul3A_74 : vector<16xi32>
        %add3A_76 = vector.broadcast %arg0 : i32 to vector<16xi32>
        %add3A_77 = arith.addi %mul3A_75, %add3A_76 : vector<16xi32>
        %swap3A_78 = arith.constant 16 : index
        %swap3A_79 = tpu.vector_load %arg9[%swap3A_78] {strides = array<i32>} : memref<128xi32, #tpu.memory_space<vmem>>, vector<16xi32>,
        %swap3A_80 = vector.shape_cast %swap3A_79 : vector<16xi32> to vector<16xi32>
        %swap3A_81 = vector.shape_cast %add3A_77 : vector<16xi32> to vector<16xi32>
        tpu.vector_store %arg9[%swap3A_78], %swap3A_81 {strides = array<i32>} : memref<128xi32, #tpu.memory_space<vmem>>, vector<16xi32>,
        %get3A_82 = arith.constant 144 : index
        %get3A_83 = tpu.vector_load %arg8[%get3A_82] {strides = array<i32>} : memref<256xi32, #tpu.memory_space<vmem>>, vector<16xi32>,
        %get3A_84 = vector.shape_cast %get3A_83 : vector<16xi32> to vector<16xi32>
        %sub3A_85 = vector.broadcast %mul3A_25 : i32 to vector<16xi32>
        %sub3A_86 = arith.subi %get3A_84, %sub3A_85 : vector<16xi32>
        %ge3A_87 = arith.constant 0 : i32
        %ge3A_88 = vector.broadcast %ge3A_87 : i32 to vector<16xi32>
        %ge3A_89 = arith.cmpi sge, %sub3A_86, %ge3A_88 : vector<16xi32>
        %lt3A_90 = arith.constant 3584 : i32
        %lt3A_91 = vector.broadcast %lt3A_90 : i32 to vector<16xi32>
        %lt3A_92 = arith.cmpi slt, %sub3A_86, %lt3A_91 : vector<16xi32>
        %and3A_93 = arith.andi %ge3A_89, %lt3A_92 : vector<16xi1>
        %jit3A_94 = arith.constant 3584 : i32
        %broadcast_in_dim3A_95 = vector.broadcast %jit3A_94 : i32 to vector<16xi32>
        %select_n3A_96 = arith.select %and3A_93, %sub3A_86, %broadcast_in_dim3A_95 : vector<16xi1>, vector<16xi32>
        %swap3A_97 = arith.constant 16 : index
        %swap3A_98 = tpu.vector_load %arg10[%swap3A_97] {strides = array<i32>} : memref<128xi32, #tpu.memory_space<vmem>>, vector<16xi32>,
        %swap3A_99 = vector.shape_cast %swap3A_98 : vector<16xi32> to vector<16xi32>
        %swap3A_100 = vector.shape_cast %select_n3A_96 : vector<16xi32> to vector<16xi32>
        tpu.vector_store %arg10[%swap3A_97], %swap3A_100 {strides = array<i32>} : memref<128xi32, #tpu.memory_space<vmem>>, vector<16xi32>,
        %get3A_101 = arith.constant 32 : index
        %get3A_102 = tpu.vector_load %arg8[%get3A_101] {strides = array<i32>} : memref<256xi32, #tpu.memory_space<vmem>>, vector<16xi32>,
        %get3A_103 = vector.shape_cast %get3A_102 : vector<16xi32> to vector<16xi32>
        %mul3A_104 = arith.constant 2 : i32
        %mul3A_105 = vector.broadcast %mul3A_104 : i32 to vector<16xi32>
        %mul3A_106 = arith.muli %get3A_103, %mul3A_105 : vector<16xi32>
        %add3A_107 = vector.broadcast %arg0 : i32 to vector<16xi32>
        %add3A_108 = arith.addi %mul3A_106, %add3A_107 : vector<16xi32>
        %swap3A_109 = arith.constant 32 : index
        %swap3A_110 = tpu.vector_load %arg9[%swap3A_109] {strides = array<i32>} : memref<128xi32, #tpu.memory_space<vmem>>, vector<16xi32>,
        %swap3A_111 = vector.shape_cast %swap3A_110 : vector<16xi32> to vector<16xi32>
        %swap3A_112 = vector.shape_cast %add3A_108 : vector<16xi32> to vector<16xi32>
        tpu.vector_store %arg9[%swap3A_109], %swap3A_112 {strides = array<i32>} : memref<128xi32, #tpu.memory_space<vmem>>, vector<16xi32>,
        %get3A_113 = arith.constant 160 : index
        %get3A_114 = tpu.vector_load %arg8[%get3A_113] {strides = array<i32>} : memref<256xi32, #tpu.memory_space<vmem>>, vector<16xi32>,
        %get3A_115 = vector.shape_cast %get3A_114 : vector<16xi32> to vector<16xi32>
        %sub3A_116 = vector.broadcast %mul3A_25 : i32 to vector<16xi32>
        %sub3A_117 = arith.subi %get3A_115, %sub3A_116 : vector<16xi32>
        %ge3A_118 = arith.constant 0 : i32
        %ge3A_119 = vector.broadcast %ge3A_118 : i32 to vector<16xi32>
        %ge3A_120 = arith.cmpi sge, %sub3A_117, %ge3A_119 : vector<16xi32>
        %lt3A_121 = arith.constant 3584 : i32
        %lt3A_122 = vector.broadcast %lt3A_121 : i32 to vector<16xi32>
        %lt3A_123 = arith.cmpi slt, %sub3A_117, %lt3A_122 : vector<16xi32>
        %and3A_124 = arith.andi %ge3A_120, %lt3A_123 : vector<16xi1>
        %jit3A_125 = arith.constant 3584 : i32
        %broadcast_in_dim3A_126 = vector.broadcast %jit3A_125 : i32 to vector<16xi32>
        %select_n3A_127 = arith.select %and3A_124, %sub3A_117, %broadcast_in_dim3A_126 : vector<16xi1>, vector<16xi32>
        %swap3A_128 = arith.constant 32 : index
        %swap3A_129 = tpu.vector_load %arg10[%swap3A_128] {strides = array<i32>} : memref<128xi32, #tpu.memory_space<vmem>>, vector<16xi32>,
        %swap3A_130 = vector.shape_cast %swap3A_129 : vector<16xi32> to vector<16xi32>
        %swap3A_131 = vector.shape_cast %select_n3A_127 : vector<16xi32> to vector<16xi32>
        tpu.vector_store %arg10[%swap3A_128], %swap3A_131 {strides = array<i32>} : memref<128xi32, #tpu.memory_space<vmem>>, vector<16xi32>,
        %get3A_132 = arith.constant 48 : index
        %get3A_133 = tpu.vector_load %arg8[%get3A_132] {strides = array<i32>} : memref<256xi32, #tpu.memory_space<vmem>>, vector<16xi32>,
        %get3A_134 = vector.shape_cast %get3A_133 : vector<16xi32> to vector<16xi32>
        %mul3A_135 = arith.constant 2 : i32
        %mul3A_136 = vector.broadcast %mul3A_135 : i32 to vector<16xi32>
        %mul3A_137 = arith.muli %get3A_134, %mul3A_136 : vector<16xi32>
        %add3A_138 = vector.broadcast %arg0 : i32 to vector<16xi32>
        %add3A_139 = arith.addi %mul3A_137, %add3A_138 : vector<16xi32>
        %swap3A_140 = arith.constant 48 : index
        %swap3A_141 = tpu.vector_load %arg9[%swap3A_140] {strides = array<i32>} : memref<128xi32, #tpu.memory_space<vmem>>, vector<16xi32>,
        %swap3A_142 = vector.shape_cast %swap3A_141 : vector<16xi32> to vector<16xi32>
        %swap3A_143 = vector.shape_cast %add3A_139 : vector<16xi32> to vector<16xi32>
        tpu.vector_store %arg9[%swap3A_140], %swap3A_143 {strides = array<i32>} : memref<128xi32, #tpu.memory_space<vmem>>, vector<16xi32>,
        %get3A_144 = arith.constant 176 : index
        %get3A_145 = tpu.vector_load %arg8[%get3A_144] {strides = array<i32>} : memref<256xi32, #tpu.memory_space<vmem>>, vector<16xi32>,
        %get3A_146 = vector.shape_cast %get3A_145 : vector<16xi32> to vector<16xi32>
        %sub3A_147 = vector.broadcast %mul3A_25 : i32 to vector<16xi32>
        %sub3A_148 = arith.subi %get3A_146, %sub3A_147 : vector<16xi32>
        %ge3A_149 = arith.constant 0 : i32
        %ge3A_150 = vector.broadcast %ge3A_149 : i32 to vector<16xi32>
        %ge3A_151 = arith.cmpi sge, %sub3A_148, %ge3A_150 : vector<16xi32>
        %lt3A_152 = arith.constant 3584 : i32
        %lt3A_153 = vector.broadcast %lt3A_152 : i32 to vector<16xi32>
        %lt3A_154 = arith.cmpi slt, %sub3A_148, %lt3A_153 : vector<16xi32>
        %and3A_155 = arith.andi %ge3A_151, %lt3A_154 : vector<16xi1>
        %jit3A_156 = arith.constant 3584 : i32
        %broadcast_in_dim3A_157 = vector.broadcast %jit3A_156 : i32 to vector<16xi32>
        %select_n3A_158 = arith.select %and3A_155, %sub3A_148, %broadcast_in_dim3A_157 : vector<16xi1>, vector<16xi32>
        %swap3A_159 = arith.constant 48 : index
        %swap3A_160 = tpu.vector_load %arg10[%swap3A_159] {strides = array<i32>} : memref<128xi32, #tpu.memory_space<vmem>>, vector<16xi32>,
        %swap3A_161 = vector.shape_cast %swap3A_160 : vector<16xi32> to vector<16xi32>
        %swap3A_162 = vector.shape_cast %select_n3A_158 : vector<16xi32> to vector<16xi32>
        tpu.vector_store %arg10[%swap3A_159], %swap3A_162 {strides = array<i32>} : memref<128xi32, #tpu.memory_space<vmem>>, vector<16xi32>,
        %get3A_163 = arith.constant 64 : index
        %get3A_164 = tpu.vector_load %arg8[%get3A_163] {strides = array<i32>} : memref<256xi32, #tpu.memory_space<vmem>>, vector<16xi32>,
        %get3A_165 = vector.shape_cast %get3A_164 : vector<16xi32> to vector<16xi32>
        %mul3A_166 = arith.constant 2 : i32
        %mul3A_167 = vector.broadcast %mul3A_166 : i32 to vector<16xi32>
        %mul3A_168 = arith.muli %get3A_165, %mul3A_167 : vector<16xi32>
        %add3A_169 = vector.broadcast %arg0 : i32 to vector<16xi32>
        %add3A_170 = arith.addi %mul3A_168, %add3A_169 : vector<16xi32>
        %swap3A_171 = arith.constant 64 : index
        %swap3A_172 = tpu.vector_load %arg9[%swap3A_171] {strides = array<i32>} : memref<128xi32, #tpu.memory_space<vmem>>, vector<16xi32>,
        %swap3A_173 = vector.shape_cast %swap3A_172 : vector<16xi32> to vector<16xi32>
        %swap3A_174 = vector.shape_cast %add3A_170 : vector<16xi32> to vector<16xi32>
        tpu.vector_store %arg9[%swap3A_171], %swap3A_174 {strides = array<i32>} : memref<128xi32, #tpu.memory_space<vmem>>, vector<16xi32>,
        %get3A_175 = arith.constant 192 : index
        %get3A_176 = tpu.vector_load %arg8[%get3A_175] {strides = array<i32>} : memref<256xi32, #tpu.memory_space<vmem>>, vector<16xi32>,
        %get3A_177 = vector.shape_cast %get3A_176 : vector<16xi32> to vector<16xi32>
        %sub3A_178 = vector.broadcast %mul3A_25 : i32 to vector<16xi32>
        %sub3A_179 = arith.subi %get3A_177, %sub3A_178 : vector<16xi32>
        %ge3A_180 = arith.constant 0 : i32
        %ge3A_181 = vector.broadcast %ge3A_180 : i32 to vector<16xi32>
        %ge3A_182 = arith.cmpi sge, %sub3A_179, %ge3A_181 : vector<16xi32>
        %lt3A_183 = arith.constant 3584 : i32
        %lt3A_184 = vector.broadcast %lt3A_183 : i32 to vector<16xi32>
        %lt3A_185 = arith.cmpi slt, %sub3A_179, %lt3A_184 : vector<16xi32>
        %and3A_186 = arith.andi %ge3A_182, %lt3A_185 : vector<16xi1>
        %jit3A_187 = arith.constant 3584 : i32
        %broadcast_in_dim3A_188 = vector.broadcast %jit3A_187 : i32 to vector<16xi32>
        %select_n3A_189 = arith.select %and3A_186, %sub3A_179, %broadcast_in_dim3A_188 : vector<16xi1>, vector<16xi32>
        %swap3A_190 = arith.constant 64 : index
        %swap3A_191 = tpu.vector_load %arg10[%swap3A_190] {strides = array<i32>} : memref<128xi32, #tpu.memory_space<vmem>>, vector<16xi32>,
        %swap3A_192 = vector.shape_cast %swap3A_191 : vector<16xi32> to vector<16xi32>
        %swap3A_193 = vector.shape_cast %select_n3A_189 : vector<16xi32> to vector<16xi32>
        tpu.vector_store %arg10[%swap3A_190], %swap3A_193 {strides = array<i32>} : memref<128xi32, #tpu.memory_space<vmem>>, vector<16xi32>,
        %get3A_194 = arith.constant 80 : index
        %get3A_195 = tpu.vector_load %arg8[%get3A_194] {strides = array<i32>} : memref<256xi32, #tpu.memory_space<vmem>>, vector<16xi32>,
        %get3A_196 = vector.shape_cast %get3A_195 : vector<16xi32> to vector<16xi32>
        %mul3A_197 = arith.constant 2 : i32
        %mul3A_198 = vector.broadcast %mul3A_197 : i32 to vector<16xi32>
        %mul3A_199 = arith.muli %get3A_196, %mul3A_198 : vector<16xi32>
        %add3A_200 = vector.broadcast %arg0 : i32 to vector<16xi32>
        %add3A_201 = arith.addi %mul3A_199, %add3A_200 : vector<16xi32>
        %swap3A_202 = arith.constant 80 : index
        %swap3A_203 = tpu.vector_load %arg9[%swap3A_202] {strides = array<i32>} : memref<128xi32, #tpu.memory_space<vmem>>, vector<16xi32>,
        %swap3A_204 = vector.shape_cast %swap3A_203 : vector<16xi32> to vector<16xi32>
        %swap3A_205 = vector.shape_cast %add3A_201 : vector<16xi32> to vector<16xi32>
        tpu.vector_store %arg9[%swap3A_202], %swap3A_205 {strides = array<i32>} : memref<128xi32, #tpu.memory_space<vmem>>, vector<16xi32>,
        %get3A_206 = arith.constant 208 : index
        %get3A_207 = tpu.vector_load %arg8[%get3A_206] {strides = array<i32>} : memref<256xi32, #tpu.memory_space<vmem>>, vector<16xi32>,
        %get3A_208 = vector.shape_cast %get3A_207 : vector<16xi32> to vector<16xi32>
        %sub3A_209 = vector.broadcast %mul3A_25 : i32 to vector<16xi32>
        %sub3A_210 = arith.subi %get3A_208, %sub3A_209 : vector<16xi32>
        %ge3A_211 = arith.constant 0 : i32
        %ge3A_212 = vector.broadcast %ge3A_211 : i32 to vector<16xi32>
        %ge3A_213 = arith.cmpi sge, %sub3A_210, %ge3A_212 : vector<16xi32>
        %lt3A_214 = arith.constant 3584 : i32
        %lt3A_215 = vector.broadcast %lt3A_214 : i32 to vector<16xi32>
        %lt3A_216 = arith.cmpi slt, %sub3A_210, %lt3A_215 : vector<16xi32>
        %and3A_217 = arith.andi %ge3A_213, %lt3A_216 : vector<16xi1>
        %jit3A_218 = arith.constant 3584 : i32
        %broadcast_in_dim3A_219 = vector.broadcast %jit3A_218 : i32 to vector<16xi32>
        %select_n3A_220 = arith.select %and3A_217, %sub3A_210, %broadcast_in_dim3A_219 : vector<16xi1>, vector<16xi32>
        %swap3A_221 = arith.constant 80 : index
        %swap3A_222 = tpu.vector_load %arg10[%swap3A_221] {strides = array<i32>} : memref<128xi32, #tpu.memory_space<vmem>>, vector<16xi32>,
        %swap3A_223 = vector.shape_cast %swap3A_222 : vector<16xi32> to vector<16xi32>
        %swap3A_224 = vector.shape_cast %select_n3A_220 : vector<16xi32> to vector<16xi32>
        tpu.vector_store %arg10[%swap3A_221], %swap3A_224 {strides = array<i32>} : memref<128xi32, #tpu.memory_space<vmem>>, vector<16xi32>,
        %get3A_225 = arith.constant 96 : index
        %get3A_226 = tpu.vector_load %arg8[%get3A_225] {strides = array<i32>} : memref<256xi32, #tpu.memory_space<vmem>>, vector<16xi32>,
        %get3A_227 = vector.shape_cast %get3A_226 : vector<16xi32> to vector<16xi32>
        %mul3A_228 = arith.constant 2 : i32
        %mul3A_229 = vector.broadcast %mul3A_228 : i32 to vector<16xi32>
        %mul3A_230 = arith.muli %get3A_227, %mul3A_229 : vector<16xi32>
        %add3A_231 = vector.broadcast %arg0 : i32 to vector<16xi32>
        %add3A_232 = arith.addi %mul3A_230, %add3A_231 : vector<16xi32>
        %swap3A_233 = arith.constant 96 : index
        %swap3A_234 = tpu.vector_load %arg9[%swap3A_233] {strides = array<i32>} : memref<128xi32, #tpu.memory_space<vmem>>, vector<16xi32>,
        %swap3A_235 = vector.shape_cast %swap3A_234 : vector<16xi32> to vector<16xi32>
        %swap3A_236 = vector.shape_cast %add3A_232 : vector<16xi32> to vector<16xi32>
        tpu.vector_store %arg9[%swap3A_233], %swap3A_236 {strides = array<i32>} : memref<128xi32, #tpu.memory_space<vmem>>, vector<16xi32>,
        %get3A_237 = arith.constant 224 : index
        %get3A_238 = tpu.vector_load %arg8[%get3A_237] {strides = array<i32>} : memref<256xi32, #tpu.memory_space<vmem>>, vector<16xi32>,
        %get3A_239 = vector.shape_cast %get3A_238 : vector<16xi32> to vector<16xi32>
        %sub3A_240 = vector.broadcast %mul3A_25 : i32 to vector<16xi32>
        %sub3A_241 = arith.subi %get3A_239, %sub3A_240 : vector<16xi32>
        %ge3A_242 = arith.constant 0 : i32
        %ge3A_243 = vector.broadcast %ge3A_242 : i32 to vector<16xi32>
        %ge3A_244 = arith.cmpi sge, %sub3A_241, %ge3A_243 : vector<16xi32>
        %lt3A_245 = arith.constant 3584 : i32
        %lt3A_246 = vector.broadcast %lt3A_245 : i32 to vector<16xi32>
        %lt3A_247 = arith.cmpi slt, %sub3A_241, %lt3A_246 : vector<16xi32>
        %and3A_248 = arith.andi %ge3A_244, %lt3A_247 : vector<16xi1>
        %jit3A_249 = arith.constant 3584 : i32
        %broadcast_in_dim3A_250 = vector.broadcast %jit3A_249 : i32 to vector<16xi32>
        %select_n3A_251 = arith.select %and3A_248, %sub3A_241, %broadcast_in_dim3A_250 : vector<16xi1>, vector<16xi32>
        %swap3A_252 = arith.constant 96 : index
        %swap3A_253 = tpu.vector_load %arg10[%swap3A_252] {strides = array<i32>} : memref<128xi32, #tpu.memory_space<vmem>>, vector<16xi32>,
        %swap3A_254 = vector.shape_cast %swap3A_253 : vector<16xi32> to vector<16xi32>
        %swap3A_255 = vector.shape_cast %select_n3A_251 : vector<16xi32> to vector<16xi32>
        tpu.vector_store %arg10[%swap3A_252], %swap3A_255 {strides = array<i32>} : memref<128xi32, #tpu.memory_space<vmem>>, vector<16xi32>,
        %get3A_256 = arith.constant 112 : index
        %get3A_257 = tpu.vector_load %arg8[%get3A_256] {strides = array<i32>} : memref<256xi32, #tpu.memory_space<vmem>>, vector<16xi32>,
        %get3A_258 = vector.shape_cast %get3A_257 : vector<16xi32> to vector<16xi32>
        %mul3A_259 = arith.constant 2 : i32
        %mul3A_260 = vector.broadcast %mul3A_259 : i32 to vector<16xi32>
        %mul3A_261 = arith.muli %get3A_258, %mul3A_260 : vector<16xi32>
        %add3A_262 = vector.broadcast %arg0 : i32 to vector<16xi32>
        %add3A_263 = arith.addi %mul3A_261, %add3A_262 : vector<16xi32>
        %swap3A_264 = arith.constant 112 : index
        %swap3A_265 = tpu.vector_load %arg9[%swap3A_264] {strides = array<i32>} : memref<128xi32, #tpu.memory_space<vmem>>, vector<16xi32>,
        %swap3A_266 = vector.shape_cast %swap3A_265 : vector<16xi32> to vector<16xi32>
        %swap3A_267 = vector.shape_cast %add3A_263 : vector<16xi32> to vector<16xi32>
        tpu.vector_store %arg9[%swap3A_264], %swap3A_267 {strides = array<i32>} : memref<128xi32, #tpu.memory_space<vmem>>, vector<16xi32>,
        %get3A_268 = arith.constant 240 : index
        %get3A_269 = tpu.vector_load %arg8[%get3A_268] {strides = array<i32>} : memref<256xi32, #tpu.memory_space<vmem>>, vector<16xi32>,
        %get3A_270 = vector.shape_cast %get3A_269 : vector<16xi32> to vector<16xi32>
        %sub3A_271 = vector.broadcast %mul3A_25 : i32 to vector<16xi32>
        %sub3A_272 = arith.subi %get3A_270, %sub3A_271 : vector<16xi32>
        %ge3A_273 = arith.constant 0 : i32
        %ge3A_274 = vector.broadcast %ge3A_273 : i32 to vector<16xi32>
        %ge3A_275 = arith.cmpi sge, %sub3A_272, %ge3A_274 : vector<16xi32>
        %lt3A_276 = arith.constant 3584 : i32
        %lt3A_277 = vector.broadcast %lt3A_276 : i32 to vector<16xi32>
        %lt3A_278 = arith.cmpi slt, %sub3A_272, %lt3A_277 : vector<16xi32>
        %and3A_279 = arith.andi %ge3A_275, %lt3A_278 : vector<16xi1>
        %jit3A_280 = arith.constant 3584 : i32
        %broadcast_in_dim3A_281 = vector.broadcast %jit3A_280 : i32 to vector<16xi32>
        %select_n3A_282 = arith.select %and3A_279, %sub3A_272, %broadcast_in_dim3A_281 : vector<16xi1>, vector<16xi32>
        %swap3A_283 = arith.constant 112 : index
        %swap3A_284 = tpu.vector_load %arg10[%swap3A_283] {strides = array<i32>} : memref<128xi32, #tpu.memory_space<vmem>>, vector<16xi32>,
        %swap3A_285 = vector.shape_cast %swap3A_284 : vector<16xi32> to vector<16xi32>
        %swap3A_286 = vector.shape_cast %select_n3A_282 : vector<16xi32> to vector<16xi32>
        tpu.vector_store %arg10[%swap3A_283], %swap3A_286 {strides = array<i32>} : memref<128xi32, #tpu.memory_space<vmem>>, vector<16xi32>,
        %dma_start3A = arith.constant 0 : i32
        %dma_start3A_287 = arith.constant 0 : i32
        %dma_start3A_288 = tpu.memref_slice %arg2[%dma_start3A, %dma_start3A_287] : memref<20000x128xf32, #tpu.memory_space<hbm>> -> memref<20000x128xf32, #tpu.memory_space<hbm>>
        tpu.enqueue_indirect_dma source(%dma_start3A_288 : memref<20000x128xf32, #tpu.memory_space<hbm>>) target(%arg11 : memref<128x128xf32, #tpu.memory_space<vmem>>) offsets(%arg9 : memref<128xi32, #tpu.memory_space<vmem>>) semaphore(%arg12 : memref<!tpu.dma_semaphore, #tpu.memory_space<semaphore_mem>>)
        %dma_wait3A = arith.constant 0 : i32
        %dma_wait3A_289 = arith.constant 0 : i32
        %dma_wait3A_290 = tpu.memref_slice %arg2[%dma_wait3A, %dma_wait3A_289] : memref<20000x128xf32, #tpu.memory_space<hbm>> -> memref<20000x128xf32, #tpu.memory_space<hbm>>
        tpu.wait_indirect_dma semaphore(%arg12 : memref<!tpu.dma_semaphore, #tpu.memory_space<semaphore_mem>>) src(%dma_wait3A_290 : memref<20000x128xf32, #tpu.memory_space<hbm>>) dst(%arg11 : memref<128x128xf32, #tpu.memory_space<vmem>>)
        "tpu.region"() ({
          %run_scoped3A = tpu.sem_alloc : memref<!tpu.dma_semaphore, #tpu.memory_space<semaphore_mem>>
          %dma_start3A_292 = arith.constant 0 : i32
          %dma_start3A_293 = arith.constant 0 : i32
          %dma_start3A_294 = tpu.memref_slice %arg5[%dma_start3A_292, %dma_start3A_293] : memref<3592x128xf32, #tpu.memory_space<vmem_shared>> -> memref<3592x128xf32, #tpu.memory_space<vmem_shared>>
          tpu.enqueue_indirect_dma source(%arg11 : memref<128x128xf32, #tpu.memory_space<vmem>>) target(%dma_start3A_294 : memref<3592x128xf32, #tpu.memory_space<vmem_shared>>) offsets(%arg10 : memref<128xi32, #tpu.memory_space<vmem>>) semaphore(%run_scoped3A : memref<!tpu.dma_semaphore, #tpu.memory_space<semaphore_mem>>) {add = true}
          %dma_wait3A_295 = arith.constant 0 : i32
          %dma_wait3A_296 = arith.constant 0 : i32
          %dma_wait3A_297 = tpu.memref_slice %arg5[%dma_wait3A_295, %dma_wait3A_296] : memref<3592x128xf32, #tpu.memory_space<vmem_shared>> -> memref<3592x128xf32, #tpu.memory_space<vmem_shared>>
          tpu.wait_indirect_dma semaphore(%run_scoped3A : memref<!tpu.dma_semaphore, #tpu.memory_space<semaphore_mem>>) src(%arg11 : memref<128x128xf32, #tpu.memory_space<vmem>>) dst(%dma_wait3A_297 : memref<3592x128xf32, #tpu.memory_space<vmem_shared>>)
          tpu.yield
        }) : () -> ()
        %scan3A_291 = arith.constant 0 : i32
        scf.yield %scan3A_291 : i32
      }
      %scan3A_32 = arith.constant 79 : i32
      %barrier3A_33 = arith.constant 0 : index
      tpu.barrier barrier_id(%barrier3A_33)
      %mul3A_34 = arith.constant 224 : i32
      %mul3A_35 = arith.muli %arg1, %mul3A_34 : i32
      %add3A = arith.addi %mul3A_25, %mul3A_35 : i32
      %multiple_of3A_36 = tpu.assume_multiple %add3A, 8 : i32
      "tpu.region"() ({
        %run_scoped3A = tpu.sem_alloc : memref<!tpu.dma_semaphore, #tpu.memory_space<semaphore_mem>>
        %dma_start3A = arith.constant 0 : i32
        %dma_start3A_39 = tpu.memref_slice %arg4[%arg0, %multiple_of3A_36, %dma_start3A] : memref<2x10752x128xf32, #tpu.memory_space<hbm>> -> memref<1x224x128xf32, #tpu.memory_space<hbm>>
        %dma_start3A_40 = tpu.memref_squeeze %dma_start3A_39 : memref<1x224x128xf32, #tpu.memory_space<hbm>> -> memref<224x128xf32, #tpu.memory_space<hbm>>
        %dma_start3A_41 = arith.constant 0 : i32
        %dma_start3A_42 = tpu.memref_slice %arg5[%multiple_of3A_14, %dma_start3A_41] : memref<3592x128xf32, #tpu.memory_space<vmem_shared>> -> memref<224x128xf32, #tpu.memory_space<vmem_shared>>
        tpu.enqueue_dma source(%dma_start3A_42 : memref<224x128xf32, #tpu.memory_space<vmem_shared>>) target(%dma_start3A_40 : memref<224x128xf32, #tpu.memory_space<hbm>>) target_semaphore(%run_scoped3A : memref<!tpu.dma_semaphore, #tpu.memory_space<semaphore_mem>>)
        %dma_wait3A = arith.constant 0 : i32
        %dma_wait3A_43 = tpu.memref_slice %arg4[%arg0, %multiple_of3A_36, %dma_wait3A] : memref<2x10752x128xf32, #tpu.memory_space<hbm>> -> memref<1x224x128xf32, #tpu.memory_space<hbm>>
        %dma_wait3A_44 = tpu.memref_squeeze %dma_wait3A_43 : memref<1x224x128xf32, #tpu.memory_space<hbm>> -> memref<224x128xf32, #tpu.memory_space<hbm>>
        %dma_wait3A_45 = arith.constant 0 : i32
        %dma_wait3A_46 = tpu.memref_slice %arg5[%multiple_of3A_14, %dma_wait3A_45] : memref<3592x128xf32, #tpu.memory_space<vmem_shared>> -> memref<224x128xf32, #tpu.memory_space<vmem_shared>>
        tpu.wait_dma2 semaphore(%run_scoped3A : memref<!tpu.dma_semaphore, #tpu.memory_space<semaphore_mem>>) src(%dma_wait3A_46 : memref<224x128xf32, #tpu.memory_space<vmem_shared>>) dst(%dma_wait3A_44 : memref<224x128xf32, #tpu.memory_space<hbm>>)
        tpu.yield
      }) : () -> ()
      %barrier3A_37 = arith.constant 0 : index
      tpu.barrier barrier_id(%barrier3A_37)
      %scan3A_38 = arith.constant 0 : i32
      scf.yield %scan3A_38 : i32
    }
    %scan3A_21 = arith.constant 3 : i32
    return
  }
}

module attributes {stable_mosaic.version = 14 : i64} {
  func.func @_tc_layer_body(%arg0: i32, %arg1: memref<2x1000x128xf32, #tpu.memory_space<vmem>>, %arg2: memref<1000x128xf32, #tpu.memory_space<vmem>>, %arg3: memref<1000x256xf32, #tpu.memory_space<vmem>>, %arg4: memref<256x128xf32, #tpu.memory_space<vmem>>, %arg5: memref<256x128xf32, #tpu.memory_space<vmem>>, %arg6: memref<256x256xf32, #tpu.memory_space<vmem>>, %arg7: memref<1x256xf32, #tpu.memory_space<vmem>>, %arg8: memref<1000x256xf32, #tpu.memory_space<vmem>>) attributes {dimension_semantics = [#tpu.dimension_semantics<arbitrary>], iteration_bounds = array<i64: 10>, scalar_prefetch = 0 : i64, scratch_operands = 0 : i64, tpu.core_type = #tpu.core_type<tc>, window_params = [{transform_indices = @transform_0, window_bounds = array<i64: 2, 1000, 128>}, {transform_indices = @transform_1, window_bounds = array<i64: 1000, 128>}, {transform_indices = @transform_2, window_bounds = array<i64: 1000, 256>}, {pipeline_mode = #tpu.pipeline_mode<synchronous>, transform_indices = @transform_3, window_bounds = array<i64: 256, 128>}, {pipeline_mode = #tpu.pipeline_mode<synchronous>, transform_indices = @transform_4, window_bounds = array<i64: 256, 128>}, {pipeline_mode = #tpu.pipeline_mode<synchronous>, transform_indices = @transform_5, window_bounds = array<i64: 256, 256>}, {pipeline_mode = #tpu.pipeline_mode<synchronous>, transform_indices = @transform_6, window_bounds = array<i64: 1, 256>}, {transform_indices = @transform_7, window_bounds = array<i64: 1000, 256>}]} {
    %get3A = arith.constant 0 : index
    %get3A_0 = arith.constant 0 : index
    %get3A_1 = vector.load %arg2[%get3A, %get3A_0] : memref<1000x128xf32, #tpu.memory_space<vmem>>, vector<1000x1xf32>
    %max3A = arith.constant 1.000000e+00 : f32
    %max3A_2 = vector.broadcast %max3A : f32 to vector<1000x1xf32>
    %max3A_3 = arith.maximumf %get3A_1, %max3A_2 : vector<1000x1xf32>
    %div3A = arith.constant 1.000000e+00 : f32
    %div3A_4 = vector.broadcast %div3A : f32 to vector<1000x1xf32>
    %div3A_5 = arith.divf %div3A_4, %max3A_3 : vector<1000x1xf32>
    %get3A_6 = arith.constant 0 : index
    %get3A_7 = arith.constant 0 : index
    %get3A_8 = arith.constant 0 : index
    %get3A_9 = vector.load %arg1[%get3A_6, %get3A_7, %get3A_8] : memref<2x1000x128xf32, #tpu.memory_space<vmem>>, vector<1x1000x128xf32>
    %get3A_10 = vector.shape_cast %get3A_9 : vector<1x1000x128xf32> to vector<1000x128xf32>
    %mul3A = vector.broadcast %div3A_5 : vector<1000x1xf32> to vector<1000x128xf32>
    %mul3A_11 = arith.mulf %get3A_10, %mul3A : vector<1000x128xf32>
    %get3A_12 = arith.constant 0 : index
    %get3A_13 = arith.constant 0 : index
    %get3A_14 = vector.load %arg4[%get3A_12, %get3A_13] : memref<256x128xf32, #tpu.memory_space<vmem>>, vector<256x128xf32>
    %dot_general3A = arith.constant dense<0.000000e+00> : vector<1000x256xf32>
    %dot_general3A_15 = tpu.matmul %mul3A_11, %get3A_14, %dot_general3A {dimension_numbers = #tpu.dot_dimension_numbers<[1], [1], [0], [0], [0, 0, 1, 0], [], []>, transpose_lhs_hint = false} : vector<1000x128xf32>, vector<256x128xf32>, vector<1000x256xf32> -> vector<1000x256xf32>
    %get3A_16 = arith.constant 1 : index
    %get3A_17 = arith.constant 0 : index
    %get3A_18 = arith.constant 0 : index
    %get3A_19 = vector.load %arg1[%get3A_16, %get3A_17, %get3A_18] : memref<2x1000x128xf32, #tpu.memory_space<vmem>>, vector<1x1000x128xf32>
    %get3A_20 = vector.shape_cast %get3A_19 : vector<1x1000x128xf32> to vector<1000x128xf32>
    %mul3A_21 = vector.broadcast %div3A_5 : vector<1000x1xf32> to vector<1000x128xf32>
    %mul3A_22 = arith.mulf %get3A_20, %mul3A_21 : vector<1000x128xf32>
    %get3A_23 = arith.constant 0 : index
    %get3A_24 = arith.constant 0 : index
    %get3A_25 = vector.load %arg5[%get3A_23, %get3A_24] : memref<256x128xf32, #tpu.memory_space<vmem>>, vector<256x128xf32>
    %dot_general3A_26 = arith.constant dense<0.000000e+00> : vector<1000x256xf32>
    %dot_general3A_27 = tpu.matmul %mul3A_22, %get3A_25, %dot_general3A_26 {dimension_numbers = #tpu.dot_dimension_numbers<[1], [1], [0], [0], [0, 0, 1, 0], [], []>, transpose_lhs_hint = false} : vector<1000x128xf32>, vector<256x128xf32>, vector<1000x256xf32> -> vector<1000x256xf32>
    %add3A = arith.addf %dot_general3A_15, %dot_general3A_27 : vector<1000x256xf32>
    %get3A_28 = arith.constant 0 : index
    %get3A_29 = arith.constant 0 : index
    %get3A_30 = vector.load %arg3[%get3A_28, %get3A_29] : memref<1000x256xf32, #tpu.memory_space<vmem>>, vector<1000x256xf32>
    %get3A_31 = arith.constant 0 : index
    %get3A_32 = arith.constant 0 : index
    %get3A_33 = vector.load %arg6[%get3A_31, %get3A_32] : memref<256x256xf32, #tpu.memory_space<vmem>>, vector<256x256xf32>
    %dot_general3A_34 = arith.constant dense<0.000000e+00> : vector<1000x256xf32>
    %dot_general3A_35 = tpu.matmul %get3A_30, %get3A_33, %dot_general3A_34 {dimension_numbers = #tpu.dot_dimension_numbers<[1], [1], [0], [0], [0, 0, 1, 0], [], []>, transpose_lhs_hint = false} : vector<1000x256xf32>, vector<256x256xf32>, vector<1000x256xf32> -> vector<1000x256xf32>
    %add3A_36 = arith.addf %add3A, %dot_general3A_35 : vector<1000x256xf32>
    %get3A_37 = arith.constant 0 : index
    %get3A_38 = arith.constant 0 : index
    %get3A_39 = vector.load %arg7[%get3A_37, %get3A_38] : memref<1x256xf32, #tpu.memory_space<vmem>>, vector<1x256xf32>
    %add3A_40 = vector.broadcast %get3A_39 : vector<1x256xf32> to vector<1000x256xf32>
    %add3A_41 = arith.addf %add3A_36, %add3A_40 : vector<1000x256xf32>
    %max3A_42 = arith.constant 0.000000e+00 : f32
    %max3A_43 = vector.broadcast %max3A_42 : f32 to vector<1000x256xf32>
    %max3A_44 = arith.maximumf %add3A_41, %max3A_43 : vector<1000x256xf32>
    %swap3A = arith.constant 0 : index
    %swap3A_45 = arith.constant 0 : index
    %swap3A_46 = vector.load %arg8[%swap3A, %swap3A_45] : memref<1000x256xf32, #tpu.memory_space<vmem>>, vector<1000x256xf32>
    tpu.vector_store %arg8[%swap3A, %swap3A_45], %max3A_44 {strides = array<i32>} : memref<1000x256xf32, #tpu.memory_space<vmem>>, vector<1000x256xf32>,
    return
  }
  func.func @transform_0(%arg0: i32) -> (i32, i32, i32) {
    %c0_i32 = arith.constant 0 : i32
    %c0_i32_0 = arith.constant 0 : i32
    %c0_i32_1 = arith.constant 0 : i32
    return %c0_i32, %arg0, %c0_i32_0 : i32, i32, i32
  }
  func.func @transform_1(%arg0: i32) -> (i32, i32) {
    %c0_i32 = arith.constant 0 : i32
    %c0_i32_0 = arith.constant 0 : i32
    return %arg0, %c0_i32 : i32, i32
  }
  func.func @transform_2(%arg0: i32) -> (i32, i32) {
    %c0_i32 = arith.constant 0 : i32
    %c0_i32_0 = arith.constant 0 : i32
    return %arg0, %c0_i32 : i32, i32
  }
  func.func @transform_3(%arg0: i32) -> (i32, i32) {
    %c0_i32 = arith.constant 0 : i32
    %c0_i32_0 = arith.constant 0 : i32
    %c0_i32_1 = arith.constant 0 : i32
    return %c0_i32, %c0_i32_0 : i32, i32
  }
  func.func @transform_4(%arg0: i32) -> (i32, i32) {
    %c0_i32 = arith.constant 0 : i32
    %c0_i32_0 = arith.constant 0 : i32
    %c0_i32_1 = arith.constant 0 : i32
    return %c0_i32, %c0_i32_0 : i32, i32
  }
  func.func @transform_5(%arg0: i32) -> (i32, i32) {
    %c0_i32 = arith.constant 0 : i32
    %c0_i32_0 = arith.constant 0 : i32
    %c0_i32_1 = arith.constant 0 : i32
    return %c0_i32, %c0_i32_0 : i32, i32
  }
  func.func @transform_6(%arg0: i32) -> (i32, i32) {
    %c0_i32 = arith.constant 0 : i32
    %c0_i32_0 = arith.constant 0 : i32
    %c0_i32_1 = arith.constant 0 : i32
    return %c0_i32, %c0_i32_0 : i32, i32
  }
  func.func @transform_7(%arg0: i32) -> (i32, i32) {
    %c0_i32 = arith.constant 0 : i32
    %c0_i32_0 = arith.constant 0 : i32
    return %arg0, %c0_i32 : i32, i32
  }
}

module attributes {stable_mosaic.version = 14 : i64} {
  func.func @_tc_final_body(%arg0: i32, %arg1: memref<2x1000x128xf32, #tpu.memory_space<vmem>>, %arg2: memref<1000x128xf32, #tpu.memory_space<vmem>>, %arg3: memref<1000x256xf32, #tpu.memory_space<vmem>>, %arg4: memref<256x128xf32, #tpu.memory_space<vmem>>, %arg5: memref<256x128xf32, #tpu.memory_space<vmem>>, %arg6: memref<256x256xf32, #tpu.memory_space<vmem>>, %arg7: memref<1x256xf32, #tpu.memory_space<vmem>>, %arg8: memref<128x256xf32, #tpu.memory_space<vmem>>, %arg9: memref<1x128xf32, #tpu.memory_space<vmem>>, %arg10: memref<1000x128xf32, #tpu.memory_space<vmem>>) attributes {dimension_semantics = [#tpu.dimension_semantics<arbitrary>], iteration_bounds = array<i64: 10>, scalar_prefetch = 0 : i64, scratch_operands = 0 : i64, tpu.core_type = #tpu.core_type<tc>, window_params = [{transform_indices = @transform_0, window_bounds = array<i64: 2, 1000, 128>}, {transform_indices = @transform_1, window_bounds = array<i64: 1000, 128>}, {transform_indices = @transform_2, window_bounds = array<i64: 1000, 256>}, {pipeline_mode = #tpu.pipeline_mode<synchronous>, transform_indices = @transform_3, window_bounds = array<i64: 256, 128>}, {pipeline_mode = #tpu.pipeline_mode<synchronous>, transform_indices = @transform_4, window_bounds = array<i64: 256, 128>}, {pipeline_mode = #tpu.pipeline_mode<synchronous>, transform_indices = @transform_5, window_bounds = array<i64: 256, 256>}, {pipeline_mode = #tpu.pipeline_mode<synchronous>, transform_indices = @transform_6, window_bounds = array<i64: 1, 256>}, {pipeline_mode = #tpu.pipeline_mode<synchronous>, transform_indices = @transform_7, window_bounds = array<i64: 128, 256>}, {pipeline_mode = #tpu.pipeline_mode<synchronous>, transform_indices = @transform_8, window_bounds = array<i64: 1, 128>}, {transform_indices = @transform_9, window_bounds = array<i64: 1000, 128>}]} {
    %get3A = arith.constant 0 : index
    %get3A_0 = arith.constant 0 : index
    %get3A_1 = vector.load %arg2[%get3A, %get3A_0] : memref<1000x128xf32, #tpu.memory_space<vmem>>, vector<1000x1xf32>
    %max3A = arith.constant 1.000000e+00 : f32
    %max3A_2 = vector.broadcast %max3A : f32 to vector<1000x1xf32>
    %max3A_3 = arith.maximumf %get3A_1, %max3A_2 : vector<1000x1xf32>
    %div3A = arith.constant 1.000000e+00 : f32
    %div3A_4 = vector.broadcast %div3A : f32 to vector<1000x1xf32>
    %div3A_5 = arith.divf %div3A_4, %max3A_3 : vector<1000x1xf32>
    %get3A_6 = arith.constant 0 : index
    %get3A_7 = arith.constant 0 : index
    %get3A_8 = arith.constant 0 : index
    %get3A_9 = vector.load %arg1[%get3A_6, %get3A_7, %get3A_8] : memref<2x1000x128xf32, #tpu.memory_space<vmem>>, vector<1x1000x128xf32>
    %get3A_10 = vector.shape_cast %get3A_9 : vector<1x1000x128xf32> to vector<1000x128xf32>
    %mul3A = vector.broadcast %div3A_5 : vector<1000x1xf32> to vector<1000x128xf32>
    %mul3A_11 = arith.mulf %get3A_10, %mul3A : vector<1000x128xf32>
    %get3A_12 = arith.constant 0 : index
    %get3A_13 = arith.constant 0 : index
    %get3A_14 = vector.load %arg4[%get3A_12, %get3A_13] : memref<256x128xf32, #tpu.memory_space<vmem>>, vector<256x128xf32>
    %dot_general3A = arith.constant dense<0.000000e+00> : vector<1000x256xf32>
    %dot_general3A_15 = tpu.matmul %mul3A_11, %get3A_14, %dot_general3A {dimension_numbers = #tpu.dot_dimension_numbers<[1], [1], [0], [0], [0, 0, 1, 0], [], []>, transpose_lhs_hint = false} : vector<1000x128xf32>, vector<256x128xf32>, vector<1000x256xf32> -> vector<1000x256xf32>
    %get3A_16 = arith.constant 1 : index
    %get3A_17 = arith.constant 0 : index
    %get3A_18 = arith.constant 0 : index
    %get3A_19 = vector.load %arg1[%get3A_16, %get3A_17, %get3A_18] : memref<2x1000x128xf32, #tpu.memory_space<vmem>>, vector<1x1000x128xf32>
    %get3A_20 = vector.shape_cast %get3A_19 : vector<1x1000x128xf32> to vector<1000x128xf32>
    %mul3A_21 = vector.broadcast %div3A_5 : vector<1000x1xf32> to vector<1000x128xf32>
    %mul3A_22 = arith.mulf %get3A_20, %mul3A_21 : vector<1000x128xf32>
    %get3A_23 = arith.constant 0 : index
    %get3A_24 = arith.constant 0 : index
    %get3A_25 = vector.load %arg5[%get3A_23, %get3A_24] : memref<256x128xf32, #tpu.memory_space<vmem>>, vector<256x128xf32>
    %dot_general3A_26 = arith.constant dense<0.000000e+00> : vector<1000x256xf32>
    %dot_general3A_27 = tpu.matmul %mul3A_22, %get3A_25, %dot_general3A_26 {dimension_numbers = #tpu.dot_dimension_numbers<[1], [1], [0], [0], [0, 0, 1, 0], [], []>, transpose_lhs_hint = false} : vector<1000x128xf32>, vector<256x128xf32>, vector<1000x256xf32> -> vector<1000x256xf32>
    %add3A = arith.addf %dot_general3A_15, %dot_general3A_27 : vector<1000x256xf32>
    %get3A_28 = arith.constant 0 : index
    %get3A_29 = arith.constant 0 : index
    %get3A_30 = vector.load %arg3[%get3A_28, %get3A_29] : memref<1000x256xf32, #tpu.memory_space<vmem>>, vector<1000x256xf32>
    %get3A_31 = arith.constant 0 : index
    %get3A_32 = arith.constant 0 : index
    %get3A_33 = vector.load %arg6[%get3A_31, %get3A_32] : memref<256x256xf32, #tpu.memory_space<vmem>>, vector<256x256xf32>
    %dot_general3A_34 = arith.constant dense<0.000000e+00> : vector<1000x256xf32>
    %dot_general3A_35 = tpu.matmul %get3A_30, %get3A_33, %dot_general3A_34 {dimension_numbers = #tpu.dot_dimension_numbers<[1], [1], [0], [0], [0, 0, 1, 0], [], []>, transpose_lhs_hint = false} : vector<1000x256xf32>, vector<256x256xf32>, vector<1000x256xf32> -> vector<1000x256xf32>
    %add3A_36 = arith.addf %add3A, %dot_general3A_35 : vector<1000x256xf32>
    %get3A_37 = arith.constant 0 : index
    %get3A_38 = arith.constant 0 : index
    %get3A_39 = vector.load %arg7[%get3A_37, %get3A_38] : memref<1x256xf32, #tpu.memory_space<vmem>>, vector<1x256xf32>
    %add3A_40 = vector.broadcast %get3A_39 : vector<1x256xf32> to vector<1000x256xf32>
    %add3A_41 = arith.addf %add3A_36, %add3A_40 : vector<1000x256xf32>
    %max3A_42 = arith.constant 0.000000e+00 : f32
    %max3A_43 = vector.broadcast %max3A_42 : f32 to vector<1000x256xf32>
    %max3A_44 = arith.maximumf %add3A_41, %max3A_43 : vector<1000x256xf32>
    %get3A_45 = arith.constant 0 : index
    %get3A_46 = arith.constant 0 : index
    %get3A_47 = vector.load %arg8[%get3A_45, %get3A_46] : memref<128x256xf32, #tpu.memory_space<vmem>>, vector<128x256xf32>
    %dot_general3A_48 = arith.constant dense<0.000000e+00> : vector<1000x128xf32>
    %dot_general3A_49 = tpu.matmul %max3A_44, %get3A_47, %dot_general3A_48 {dimension_numbers = #tpu.dot_dimension_numbers<[1], [1], [0], [0], [0, 0, 1, 0], [], []>, transpose_lhs_hint = false} : vector<1000x256xf32>, vector<128x256xf32>, vector<1000x128xf32> -> vector<1000x128xf32>
    %get3A_50 = arith.constant 0 : index
    %get3A_51 = arith.constant 0 : index
    %get3A_52 = vector.load %arg9[%get3A_50, %get3A_51] : memref<1x128xf32, #tpu.memory_space<vmem>>, vector<1x128xf32>
    %add3A_53 = vector.broadcast %get3A_52 : vector<1x128xf32> to vector<1000x128xf32>
    %add3A_54 = arith.addf %dot_general3A_49, %add3A_53 : vector<1000x128xf32>
    %swap3A = arith.constant 0 : index
    %swap3A_55 = arith.constant 0 : index
    %swap3A_56 = vector.load %arg10[%swap3A, %swap3A_55] : memref<1000x128xf32, #tpu.memory_space<vmem>>, vector<1000x128xf32>
    tpu.vector_store %arg10[%swap3A, %swap3A_55], %add3A_54 {strides = array<i32>} : memref<1000x128xf32, #tpu.memory_space<vmem>>, vector<1000x128xf32>,
    return
  }
  func.func @transform_0(%arg0: i32) -> (i32, i32, i32) {
    %c0_i32 = arith.constant 0 : i32
    %c0_i32_0 = arith.constant 0 : i32
    %c0_i32_1 = arith.constant 0 : i32
    return %c0_i32, %arg0, %c0_i32_0 : i32, i32, i32
  }
  func.func @transform_1(%arg0: i32) -> (i32, i32) {
    %c0_i32 = arith.constant 0 : i32
    %c0_i32_0 = arith.constant 0 : i32
    return %arg0, %c0_i32 : i32, i32
  }
  func.func @transform_2(%arg0: i32) -> (i32, i32) {
    %c0_i32 = arith.constant 0 : i32
    %c0_i32_0 = arith.constant 0 : i32
    return %arg0, %c0_i32 : i32, i32
  }
  func.func @transform_3(%arg0: i32) -> (i32, i32) {
    %c0_i32 = arith.constant 0 : i32
    %c0_i32_0 = arith.constant 0 : i32
    %c0_i32_1 = arith.constant 0 : i32
    return %c0_i32, %c0_i32_0 : i32, i32
  }
  func.func @transform_4(%arg0: i32) -> (i32, i32) {
    %c0_i32 = arith.constant 0 : i32
    %c0_i32_0 = arith.constant 0 : i32
    %c0_i32_1 = arith.constant 0 : i32
    return %c0_i32, %c0_i32_0 : i32, i32
  }
  func.func @transform_5(%arg0: i32) -> (i32, i32) {
    %c0_i32 = arith.constant 0 : i32
    %c0_i32_0 = arith.constant 0 : i32
    %c0_i32_1 = arith.constant 0 : i32
    return %c0_i32, %c0_i32_0 : i32, i32
  }
  func.func @transform_6(%arg0: i32) -> (i32, i32) {
    %c0_i32 = arith.constant 0 : i32
    %c0_i32_0 = arith.constant 0 : i32
    %c0_i32_1 = arith.constant 0 : i32
    return %c0_i32, %c0_i32_0 : i32, i32
  }
  func.func @transform_7(%arg0: i32) -> (i32, i32) {
    %c0_i32 = arith.constant 0 : i32
    %c0_i32_0 = arith.constant 0 : i32
    %c0_i32_1 = arith.constant 0 : i32
    return %c0_i32, %c0_i32_0 : i32, i32
  }
  func.func @transform_8(%arg0: i32) -> (i32, i32) {
    %c0_i32 = arith.constant 0 : i32
    %c0_i32_0 = arith.constant 0 : i32
    %c0_i32_1 = arith.constant 0 : i32
    return %c0_i32, %c0_i32_0 : i32, i32
  }
  func.func @transform_9(%arg0: i32) -> (i32, i32) {
    %c0_i32 = arith.constant 0 : i32
    %c0_i32_0 = arith.constant 0 : i32
    return %arg0, %c0_i32 : i32, i32
  }
}

</mosaic_0001>

<sc_bundles>
// kernel: kernel.6.cloned.1.call-start
scs
__scs_entry_jumppad:
0x0: {  	(pc) =	sbr.rel $0x88, $3  }
0x1: {  	(tag) =	ssettag $0x0;
	lr =	simm.s32 $0x1  }
0x2: {  	[smem:$0x3F97] =	sst lr;
	_ =	strace $0xD0000000  }
0x3: {  	_ = 	snop  }
0x4: {  	_ = 	snop  }
0x5: {  	_ = 	snop  }
0x6: {  	_ = 	snop  }
0x7: {  	_ = 	snop  }
__scs_overlays_trampoline_lowered:
0x8: {  	[smem:$0x3FA6] =	sst s0  }
0x9: {  	[smem:$0x3FA7] =	sst s1  }
0xa: {  	[smem:$0x3FA8] =	sst s2  }
0xb: {  	[smem:$0x3FA9] =	sst s3  }
0xc: {  	[smem:$0x3FAA] =	sst s4  }
0xd: {  	[smem:$0x3FAB] =	sst s5  }
0xe: {  	[smem:$0x3FAC] =	sst s6  }
0xf: {  	[smem:$0x3FAD] =	sst s7  }
0x10: {  	[smem:$0x3FAE] =	sst s8  }
0x11: {  	[smem:$0x3FAF] =	sst s9;
	s0 =	simm.s32 @!p0 $0x0  }
0x12: {  	s1 =	sld [smem:$0x3F95];
	s0 =	simm.s32 @p0 $0x1  }
0x13: {  	[smem:$0x3FB0] =	sst s0;
	s0 =	simm.s32 @!p1 $0x0  }
0x14: {  	s2 =	sld [smem:$0x3F94];
	s0 =	simm.s32 @p1 $0x1  }
0x15: {  	[smem:$0x3FB1] =	sst s0;
	s0 =	simm.s32 @!p2 $0x0  }
0x16: {  	s3 =	sld [smem:$0x3FDB];
	s0 =	simm.s32 @p2 $0x1  }
0x17: {  	s4 =	simm.s32 $0x1BF5;
	[smem:$0x3FB3] =	sst s0  }
0x18: {  	s0 =	sld [smem:$0x3F96];
	_ =	swait.ge [sflag:s4], $0x0  }
0x19: {  	s7 =	sld [smem:$0x3F97]  }
0x1a: {  	s8 =	sadd.s32 $0xFFFFE003, lr  }
0x1b: {  	s9 =	sadd.s32 $0xFFFFFEF7, lr;
	s5 =	simm.s32 $0xFFFFFFFF;
	p2 =	slt.u32 s8, $0xFFFFF086  }
0x1c: {  	p1 =	slt.u32 s9, $0xF7A;
	s5 =	simm.s32 @!p2 $0x0  }
0x1d: {  	s5 =	simm.s32 @p1 $0x1;
	p0 =	seq.s32 s7, s2  }
0x1e: {  	s7 =	smul.u32 @!p0 $0xF7A, s2;
	p2 =	seq.s32 @!p0 s5, $0x0  }
0x1f: {  	s9 =	smul.u32 $0xF7A, s1;
	s8 =	simm.s32 @!p0 $0x1BF5;
	p2 =	por !p2, p0  }
0x20: {  	[sflag:s8] =	ssyncset.s32 @!p0 $0xFFFFF086;
	s6 =	sadd.s32 @!p0 s3, s7;
	s7 =	simm.s32 @!p0 $0x108  }
0x21: {  	s3 =	sadd.s32 s3, s9;
	s6 =	sadd.s32 @!p0 $0x88, s6;
	s7 =	simm.s32 @p2 $0x1082  }
0x22: {  	[simem:s7], [sflag:s8] =	dma.local @!p0 [hbm:s6], $0xF7A  }
0x23: {  	s9 =	sor.u32 $0xD0000000, s2;
	s6 =	simm.s32 $0x108;
	_ =	swait.ge @!p0 [sflag:s8], $0x0  }
0x24: {  	s3 =	sadd.s32 $0x88, s3;
	s6 =	simm.s32 @!p1 $0x1082;
	[sflag:s4] =	ssyncset.s32 $0xFFFFF086  }
0x25: {  	[simem:s6], [sflag:s4] =	dma.local [hbm:s3], $0xF7A  }
0x26: {  	[smem:$0x3F97] =	sst s1;
	(tag) =	ssettag s2;
	_ =	strace s9  }
0x27: {  	s1 =	sld [smem:$0x3FA7]  }
0x28: {  	s2 =	sld [smem:$0x3FA8]  }
0x29: {  	s4 =	sld [smem:$0x3FAA]  }
0x2a: {  	p0 =	seq.s32 s5, $0x0;
	s5 =	sld [smem:$0x3FAB]  }
0x2b: {  	s6 =	sld [smem:$0x3FAC]  }
0x2c: {  	s7 =	sld [smem:$0x3FAD]  }
0x2d: {  	s3 =	simm.s32 $0x108;
	s8 =	sld [smem:$0x3FAE]  }
0x2e: {  	s3 =	simm.s32 @!p0 $0x1082;
	s9 =	sld [smem:$0x3FAF]  }
0x2f: {  	lr =	sadd.s32 s0, s3;
	s0 =	sld [smem:$0x3FA6]  }
0x30: {  	s3 =	sld [smem:$0x3FA9]  }
0x31: {  	[smem:$0x3FB2] =	sst s10  }
0x32: {  	s10 =	sld [smem:$0x3FB0];
	_ =	sdelay $0x3  }
0x33: {  	p0 =	seq.s32 s10, $0x1;
	s10 =	sld [smem:$0x3FB2];
	_ =	sdelay $0x3  }
0x34: {  	[smem:$0x3FB2] =	sst s10  }
0x35: {  	s10 =	sld [smem:$0x3FB1];
	_ =	sdelay $0x3  }
0x36: {  	p1 =	seq.s32 s10, $0x1;
	s10 =	sld [smem:$0x3FB2];
	_ =	sdelay $0x3  }
0x37: {  	[smem:$0x3FB2] =	sst s10  }
0x38: {  	s10 =	sld [smem:$0x3FB3]  }
0x39: {  	_ = 	snop;
	(pc) =	sbr.ind lr, $3  }
0x3a: {  	_ = 	snop  }
0x3b: {  	_ = 	snop  }
0x3c: {  	p2 =	seq.s32 s10, $0x1;
	s10 =	sld [smem:$0x3FB2]  }
0x3d: {  	_ =	shalt  }
0x3e: {  	_ =	shalt  }
0x3f: {  	_ =	shalt  }
0x40: {  	_ =	shalt  }
0x41: {  	_ =	shalt  }
0x42: {  	_ =	shalt  }
0x43: {  	_ =	shalt  }
0x44: {  	_ =	shalt  }
0x45: {  	_ =	shalt  }
0x46: {  	_ =	shalt  }
0x47: {  	_ =	shalt  }
0x48: {  	_ =	shalt  }
0x49: {  	_ =	shalt  }
0x4a: {  	_ =	shalt  }
0x4b: {  	_ =	shalt  }
0x4c: {  	_ =	shalt  }
0x4d: {  	_ =	shalt  }
0x4e: {  	_ =	shalt  }
0x4f: {  	_ =	shalt  }
0x50: {  	_ =	shalt  }
0x51: {  	_ =	shalt  }
0x52: {  	_ =	shalt  }
0x53: {  	_ =	shalt  }
0x54: {  	_ =	shalt  }
0x55: {  	_ =	shalt  }
0x56: {  	_ =	shalt  }
0x57: {  	_ =	shalt  }
0x58: {  	_ =	shalt  }
0x59: {  	_ =	shalt  }
0x5a: {  	_ =	shalt  }
0x5b: {  	_ =	shalt  }
0x5c: {  	_ =	shalt  }
0x5d: {  	_ =	shalt  }
0x5e: {  	_ =	shalt  }
0x5f: {  	_ =	shalt  }
0x60: {  	_ =	shalt  }
0x61: {  	_ =	shalt  }
0x62: {  	_ =	shalt  }
0x63: {  	_ =	shalt  }
0x64: {  	_ =	shalt  }
0x65: {  	_ =	shalt  }
0x66: {  	_ =	shalt  }
0x67: {  	_ =	shalt  }
0x68: {  	_ =	shalt  }
0x69: {  	_ =	shalt  }
0x6a: {  	_ =	shalt  }
0x6b: {  	_ =	shalt  }
0x6c: {  	_ =	shalt  }
0x6d: {  	_ =	shalt  }
0x6e: {  	_ =	shalt  }
0x6f: {  	_ =	shalt  }
0x70: {  	_ =	shalt  }
0x71: {  	_ =	shalt  }
0x72: {  	_ =	shalt  }
0x73: {  	_ =	shalt  }
0x74: {  	_ =	shalt  }
0x75: {  	_ =	shalt  }
0x76: {  	_ =	shalt  }
0x77: {  	_ =	shalt  }
0x78: {  	_ =	shalt  }
0x79: {  	_ =	shalt  }
0x7a: {  	_ =	shalt  }
0x7b: {  	_ =	shalt  }
0x7c: {  	_ =	shalt  }
0x7d: {  	_ =	shalt  }
0x7e: {  	_ =	shalt  }
0x7f: {  	_ =	shalt  }
0x80: {  	_ =	shalt  }
0x81: {  	_ =	shalt  }
0x82: {  	_ =	shalt  }
0x83: {  	_ =	shalt  }
0x84: {  	_ =	shalt  }
0x85: {  	_ =	shalt  }
0x86: {  	_ =	shalt  }
0x87: {  	_ =	shalt  }
.Lfunc_end0:
.L_simem_size_0:
called_computation_lowered:
.L_overlay_start_0:
0x88: {  	s2 =	sld [smem:$0x3FD9]  }
0x89: {  	s3 =	sld [smem:$0x3FFE];
	_ =	sdelay $0x1  }
0x8a: {  	s1 =	srdreg.scid  }
0x8b: {  	s0 =	sand.u32 $0x1, s1  }
0x8c: {  	s17 =	sshll.u32 s0, $0xA;
	s2 =	sadd.s32 s3, s2  }
0x8d: {  	s2 =	sadd.s32 s2, s17  }
0x8e: {  	[smem:$0x3FBE] =	sst s2  }
0x8f: {  	_ = 	snop  }
0x90: {  	s2 =	sld [smem:$0x3FD0];
	(tm) =	ssettm $0x1  }
0x91: {  	s18 =	sld [smem:$0x3FFB];
	_ =	sdelay $0x3  }
0x92: {  	_ =	strace s18  }
0x93: {  	s3 =	sld [smem:$0x3FFC];
	_ =	sdelay $0x3  }
0x94: {  	_ =	strace s3  }
0x95: {  	s3 =	sld [smem:$0x3FFD];
	_ =	sdelay $0x3  }
0x96: {  	_ =	strace s3  }
0x97: {  	_ =	strace $0x8FFFFFFF  }
0x98: {  	s19 =	sld [smem:$0x3FDB];
	_ =	sdelay $0x1  }
0x99: {  	s4 =	simm.s32 $_scs_section_size  }
0x9a: {  	s5 =	simm.s32 $_size__tile_overlayer_lowered;
	s6 =	simm.s32 $_tile_overlayer_lowered  }
0x9b: {  	s22 =	simm.s32 $0x1BFF;
	s21 =	sshll.u32 s6, $0x1;
	s3 =	sadd.s32 s4, s19  }
0x9c: {  	s7 =	simm.s32 $0x0;
	s20 =	sshll.u32 s5, $0x1;
	s5 =	sadd.s32 s21, s3  }
0x9d: {  	[timem:s7], [sflag:s22] =	dma.local [hbm:s5], s20  }
0x9e: {  	_ =	swait.ge [sflag:s22], s20  }
0x9f: {  	s4 =	ssub.s32 $0x0, s20;
	[sflag:s22] =	ssyncset.done $0x0  }
0xa0: {  	[sflag:s22] =	ssyncadd.s32 s4;
	_ =	sdelay $0x1  }
0xa1: {  	s23 =	simm.s32 $0x1B8B  }
0xa2: {  	_ =	swait.ge [sflag:s23], $0x1  }
0xa3: {  	[sflag:s23] =	ssyncset.done $0x0  }
0xa4: {  	s25 =	simm.s32 $0x1B8E;
	s24 =	sld [smem:$0x3FFE];
	[sflag:s23] =	ssyncadd.s32 $0xFFFFFFFF  }
0xa5: {  	s26 =	simm.s32 $execute0_lowered;
	[smem:$0x3FD2] =	sst s25  }
0xa6: {  	s5 =	sshll.u32 s26, $0x1;
	_ =	strace $0x80000046;
	[dreg:$0x1] =	wrdreg $0xFFFFFFFF  }
0xa7: {  	s28 =	simm.s32 $_size_execute0_lowered;
	s3 =	sadd.s32 s3, s5;
	[dreg:$0x0] =	wrdreg $0x0  }
0xa8: {  	s5 =	sshll.u32 s28, $0x1;
	[dreg:$0x2] =	wrdreg s3  }
0xa9: {  	[dreg:$0x3] =	wrdreg s5  }
0xaa: {  	[dreg:$0x4] =	wrdreg $0xC0  }
0xab: {  	_ =	task [dreg:s7], $0x5FFFF  }
0xac: {  	[dreg:$0x1] =	wrdreg $0xFFFFFFFF  }
0xad: {  	[dreg:$0x0] =	wrdreg $0x60  }
0xae: {  	[dreg:$0x2] =	wrdreg s24  }
0xaf: {  	[dreg:$0x3] =	wrdreg s2  }
0xb0: {  	[dreg:$0x4] =	wrdreg $0x0  }
0xb1: {  	[dreg:$0x5] =	wrdreg $0x9  }
0xb2: {  	_ =	task.clear_ibuf [dreg:s7], $0x6FFFF;
	_ =	strace $0x90000046  }
0xb3: {  	s29 =	simm.s32 $0x9;
	_ =	strace $0x80000048  }
0xb4: {  	_ =	swait.ge [sflag:s29], $0x1  }
0xb5: {  	[sflag:s29] =	ssyncadd.s32 $0xFFFFFFFF  }
0xb6: {  	_ =	strace $0x90000048  }
0xb7: {  	_ =	sfence  }
0xb8: {  	s30 =	sld [smem:$0x0];
	_ =	sdelay $0x2  }
0xb9: {  	s31 =	sshll.u32 s1, $0xD;
	s1 =	sshrl.u32 s1, $0x2  }
0xba: {  	s3 =	sand.u32 $0x4000, s31;
	s1 =	sadd.s32 s1, s30  }
0xbb: {  	s0 =	sor.u32 s3, s0;
	s1 =	sshll.u32 s1, $0x11  }
0xbc: {  	s0 =	sor.u32 s1, s0  }
0xbd: {  	s0 =	sadd.s32 $0x8F2B, s0  }
0xbe: {  	[sflag:s0] =	ssyncadd.remote.s32 $0x1  }
0xbf: {  	_ =	sfence.sel $0xFFFF  }
0xc0: {  	[dreg:$0x0] =	wrdreg $0xFFFFFFFF;
	(pc) =	sbr.abs _section_cstart, $3  }
0xc1: {  	[dreg:$0x1] =	wrdreg $0xFFFFFFFF  }
0xc2: {  	_ =	task.clear_ibuf [dreg:s7], $0x2FFFF;
	_ =	strace $0x9FFFFFFF  }
0xc3: {  	(tm) =	ssettm $0x7FFFFFFF  }
tec
execute0_lowered:
.L_overlay_start_1:
0x0: {  	(tag) =	ssettag $0x1  }
0x1: {  	s7 =	rddreg [dreg:$0x0]  }
0x2: {  	s12 =	rddreg [dreg:$0x1]  }
0x3: {  	s1 =	rddreg [dreg:$0x2]  }
0x4: {  	s0 =	rddreg [dreg:$0x3];
	s2 =	simm.s32 $0x0  }
0x5: {  	s6 =	srdreg.scid;
	s3 =	stileid.u32;
	s14 =	simm.s32 $0x2  }
0x6: {  	s15 =	simm.s32 $0x12040;
	s16 =	simm.s32 $0x80;
	s17 =	simm.s32 $0x12140  }
0x7: {  	s18 =	simm.s32 $0x12240;
	s19 =	simm.s32 $0x1;
	s20 =	simm.s32 $0x121C0  }
0x8: {  	s21 =	simm.s32 $0xE040;
	s22 =	simm.s32 $0x0;
	s9 =	smul.u32 $0x1C000, s3  }
0x9: {  	[smem:$0x7FF] =	sst s2;
	s4 =	sadd.s32 $0x1E00, s7;
	s8 =	smul.u32 $0xE0, s3  }
.Ltmp0:
0xa: {  	s5 =	sadd.s32 $0x7A000, s7;
	s6 =	sand.u32 $0x1, s6;
	(pc) =	sbr.rel .LBB2_1-.Ltmp0, $4  }
0xb: {  	s7 =	sadd.s32 $0x50000, s7;
	s13 =	smul.u32 $0x9E0, s3;
	s10 =	ssub.s32 $0x2, s6  }
0xc: {  	_ =	strace $0x80000047;
	s11 =	sshrl.u32 s10, $0x1;
	s9 =	sshrl.u32 s9, $0x2  }
0xd: {  	s12 =	sadd.s32 s13, s12;
	s13 =	simm.s32 $0x7040;
	s11 =	ssub.s32 s10, s11  }
0xe: {  	v1 =	vimm.f32 $0.0e+00;
	v2 =	vimm.f32 $1.000000000e+00;
	v0 =	vmov s6;
	s9 =	sadd.s32 s9, s1;
	s10 =	smul.u32 $0x150000, s6;
	s11 =	smax.u32 s11, $0x1  }
.LBB2_15:
0xf: {  	s22 =	sadd.s32 $0x1, s22  }
0x10: {  	p0 =	sne.s32 s22, s11  }
.Ltmp1:
0x11: {  	_ = 	snop;
	(pc) =	sbr.rel @!p0 .LBB2_16-.Ltmp1, $1  }
0x12: {  	_ =	sdelay $0x3  }
.LBB2_1:
0x13: {  	s24 =	simm.s32 $0x0;
	s23 =	simm.s32 $0x200  }
.LBB2_2:
0x14: {  	p0 =	sne.s32 s23, $0x1BE00;
	[tilespmem:s24+$0x70B0] =	vst v1  }
0x15: {  	[tilespmem:s24+$0x7040] =	vst v1  }
0x16: {  	[tilespmem:s24+$0x7050] =	vst v1  }
.Ltmp2:
0x17: {  	[tilespmem:s24+$0x7060] =	vst v1;
	(pc) =	sbr.rel @p0 .LBB2_2-.Ltmp2, $4  }
0x18: {  	[tilespmem:s24+$0x7070] =	vst v1  }
0x19: {  	[tilespmem:s24+$0x7080] =	vst v1  }
0x1a: {  	[tilespmem:s24+$0x7090] =	vst v1  }
0x1b: {  	[tilespmem:s24+$0x70A0] =	vst v1;
	s24 =	sshra.s32 s23, $0x2;
	s23 =	sadd.s32 $0x200, s23  }
0x1c: {  	[tilespmem:s24+$0x70B0] =	vst v1  }
0x1d: {  	[tilespmem:s24+$0x7040] =	vst v1  }
0x1e: {  	[tilespmem:s24+$0x7050] =	vst v1  }
0x1f: {  	[tilespmem:s24+$0x7060] =	vst v1  }
0x20: {  	[tilespmem:s24+$0x7070] =	vst v1  }
0x21: {  	[tilespmem:s24+$0x7080] =	vst v1  }
0x22: {  	[tilespmem:s24+$0x7090] =	vst v1  }
0x23: {  	s23 =	simm.s32 $0x0;
	[tilespmem:s24+$0x70A0] =	vst v1;
	s24 =	simm.s32 $0x0;
	s25 =	simm.s32 $0x200  }
.LBB2_4:
0x24: {  	p0 =	sne.s32 s25, $0xFE00;
	[tilespmem:s24+$0xE0B0] =	vst v2  }
0x25: {  	[tilespmem:s24+$0xE040] =	vst v2  }
0x26: {  	[tilespmem:s24+$0xE050] =	vst v2  }
.Ltmp3:
0x27: {  	[tilespmem:s24+$0xE060] =	vst v2;
	(pc) =	sbr.rel @p0 .LBB2_4-.Ltmp3, $4  }
0x28: {  	[tilespmem:s24+$0xE070] =	vst v2  }
0x29: {  	[tilespmem:s24+$0xE080] =	vst v2  }
0x2a: {  	[tilespmem:s24+$0xE090] =	vst v2  }
0x2b: {  	[tilespmem:s24+$0xE0A0] =	vst v2;
	s24 =	sshra.s32 s25, $0x2;
	s25 =	sadd.s32 $0x200, s25  }
0x2c: {  	[tilespmem:s24+$0xE0B0] =	vst v2  }
0x2d: {  	[tilespmem:s24+$0xE040] =	vst v2  }
0x2e: {  	[tilespmem:s24+$0xE050] =	vst v2  }
0x2f: {  	[tilespmem:s24+$0xE060] =	vst v2  }
0x30: {  	[tilespmem:s24+$0xE070] =	vst v2  }
0x31: {  	[tilespmem:s24+$0xE080] =	vst v2  }
0x32: {  	[tilespmem:s24+$0xE090] =	vst v2  }
0x33: {  	[tilespmem:s24+$0xE0A0] =	vst v2  }
.LBB2_6:
0x34: {  	[spmem:s9] =	stream.linear.scatter [tilespmem:s13], [sflag:$0x2], $0x7000, $0x38;
	[tilespmem:$0x16240] =	vst v63  }
0x35: {  	_ =	swait.ge [sflag:s14], $0x7000  }
0x36: {  	s24 =	smul.u32 $0xE00, s23;
	[sflag:s14] =	ssyncset.done $0x0  }
0x37: {  	[sflag:s14] =	ssyncadd.s32 $0xFFFF9000  }
0x38: {  	s25 =	simm.s32 $0x20;
	s26 =	sadd.s32 $0x0, s12;
	v3 =	vmov s24;
	[bflag:$0x0] =	sbarrier.arrive $0xFFFF  }
.LBB2_7:
0x39: {  	[tilespmem:s15], [sflag:$0x2] =	stream.linear.gather [hbm4b:s26+s2], $0x100, $0x38;
	[tilespmem:$0x16240] =	vst v63  }
0x3a: {  	s26 =	smov.u32 s25  }
0x3b: {  	p0 =	sne.s32 s25, $0x9C0;
	s25 =	sadd.s32 $0x20, s25;
	_ =	swait.ge [sflag:s14], $0x100  }
0x3c: {  	[sflag:s14] =	ssyncset.done $0x0  }
0x3d: {  	[sflag:s14] =	ssyncadd.s32 $0xFFFFFF00  }
0x3e: {  	v4 =	vld [tilespmem:$0x120D0]  }
0x3f: {  	v5 =	vld [tilespmem:$0x12090]  }
0x40: {  	v6 =	vld [tilespmem:$0x12110]  }
0x41: {  	v7 =	vld [tilespmem:$0x12060]  }
0x42: {  	v8 =	vld [tilespmem:$0x12070]  }
0x43: {  	v9 =	vld [tilespmem:$0x120F0]  }
0x44: {  	v10 =	vld [tilespmem:$0x120E0];
	v5 =	vshll.u32 v5, $0x1  }
0x45: {  	v4 =	vsub.s32 v4, v3;
	v11 =	vld [tilespmem:$0x12040];
	v5 =	vor.u32 v0, v5;
	v6 =	vsub.s32 v6, v3  }
0x46: {  	v4 =	vmin.u32 v4, $0xE00;
	v7 =	vshll.u32 v7, $0x1;
	v12 =	vld [tilespmem:$0x12100];
	[tilespmem:$0x12190] =	vst v5;
	v5 =	vmin.u32 v6, $0xE00  }
0x47: {  	v6 =	vor.u32 v0, v7;
	v7 =	vshll.u32 v8, $0x1;
	[tilespmem:$0x12210] =	vst v5;
	v5 =	vld [tilespmem:$0x120A0]  }
0x48: {  	[tilespmem:$0x12160] =	vst v6;
	v6 =	vor.u32 v0, v7;
	v7 =	vsub.s32 v9, v3;
	v8 =	vld [tilespmem:$0x12120]  }
0x49: {  	v9 =	vsub.s32 v10, v3;
	[tilespmem:$0x12170] =	vst v6;
	v6 =	vmin.u32 v7, $0xE00;
	v7 =	vld [tilespmem:$0x120B0]  }
0x4a: {  	v10 =	vshll.u32 v11, $0x1;
	v11 =	vld [tilespmem:$0x120C0];
	v9 =	vmin.u32 v9, $0xE00;
	[tilespmem:$0x121F0] =	vst v6  }
0x4b: {  	v6 =	vor.u32 v0, v10;
	[tilespmem:$0x121D0] =	vst v4;
	v4 =	vsub.s32 v12, v3;
	v10 =	vld [tilespmem:$0x12130]  }
0x4c: {  	[tilespmem:$0x12140] =	vst v6;
	v6 =	vld [tilespmem:$0x12050];
	v4 =	vmin.u32 v4, $0xE00;
	v5 =	vshll.u32 v5, $0x1  }
0x4d: {  	v12 =	vld [tilespmem:$0x12080];
	[tilespmem:$0x12200] =	vst v4;
	v4 =	vor.u32 v0, v5;
	v5 =	vsub.s32 v8, v3  }
0x4e: {  	[tilespmem:$0x121A0] =	vst v4;
	v4 =	vmin.u32 v5, $0xE00;
	v5 =	vshll.u32 v7, $0x1  }
0x4f: {  	v7 =	vsub.s32 v11, v3;
	[tilespmem:$0x12220] =	vst v4;
	v4 =	vor.u32 v0, v5  }
0x50: {  	v5 =	vmin.u32 v7, $0xE00;
	[tilespmem:$0x121B0] =	vst v4;
	v4 =	vsub.s32 v10, v3  }
0x51: {  	v6 =	vshll.u32 v6, $0x1;
	[tilespmem:$0x121E0] =	vst v9;
	v4 =	vmin.u32 v4, $0xE00  }
0x52: {  	v6 =	vor.u32 v0, v6;
	v7 =	vshll.u32 v12, $0x1;
	[tilespmem:$0x12230] =	vst v4  }
0x53: {  	[tilespmem:$0x12150] =	vst v6;
	v4 =	vor.u32 v0, v7  }
0x54: {  	[tilespmem:$0x12180] =	vst v4  }
0x55: {  	[tilespmem:$0x121C0] =	vst v5  }
0x56: {  	[tilespmem:s18], [sflag:$0x1] =	stream.indirect.gather [hbm4b:s4+s16], $0x80, s17, s16, $0xb8;
	[tilespmem:$0x16240] =	vst v63  }
0x57: {  	_ =	swait.ge [sflag:s19], $0x4000  }
0x58: {  	[sflag:s19] =	ssyncset.done $0x0  }
.Ltmp4:
0x59: {  	[sflag:s19] =	ssyncadd.s32 $0xFFFFC000;
	(pc) =	sbr.rel @p0 .LBB2_7-.Ltmp4, $4  }
0x5a: {  	[spmem:s1] =	stream.indirect.scatter.add.f32 [tilespmem:s18], [sflag:$0x2], $0x80, s20, s16, $0xb8;
	[tilespmem:$0x16240] =	vst v63  }
0x5b: {  	_ =	swait.ge [sflag:s14], $0x4000  }
0x5c: {  	[sflag:s14] =	ssyncset.done $0x0  }
0x5d: {  	s26 =	sadd.s32 s26, s12;
	[sflag:s14] =	ssyncadd.s32 $0xFFFFC000  }
0x5e: {  	[tilespmem:s15], [sflag:$0x2] =	stream.linear.gather [hbm4b:s26+s2], $0x100, $0x38;
	[tilespmem:$0x16240] =	vst v63  }
0x5f: {  	_ =	swait.ge [sflag:s14], $0x100  }
0x60: {  	[sflag:s14] =	ssyncset.done $0x0  }
0x61: {  	[sflag:s14] =	ssyncadd.s32 $0xFFFFFF00  }
0x62: {  	v4 =	vld [tilespmem:$0x12090]  }
0x63: {  	v5 =	vld [tilespmem:$0x12110]  }
0x64: {  	v6 =	vld [tilespmem:$0x12060]  }
0x65: {  	v7 =	vld [tilespmem:$0x12070]  }
0x66: {  	v8 =	vld [tilespmem:$0x120F0]  }
0x67: {  	v9 =	vld [tilespmem:$0x120D0]  }
0x68: {  	v10 =	vld [tilespmem:$0x12040]  }
0x69: {  	v11 =	vld [tilespmem:$0x12100];
	v4 =	vshll.u32 v4, $0x1  }
0x6a: {  	v46 =	vld [tilespmem:$0x12120];
	v5 =	vsub.s32 v5, v3;
	v4 =	vor.u32 v0, v4  }
0x6b: {  	v50 =	vld [tilespmem:$0x120E0];
	v6 =	vshll.u32 v6, $0x1;
	v40 =	vmin.u32 v5, $0xE00;
	[tilespmem:$0x12190] =	vst v4  }
0x6c: {  	v53 =	vld [tilespmem:$0x12130];
	v42 =	vshll.u32 v7, $0x1;
	v41 =	vor.u32 v0, v6;
	[tilespmem:$0x12210] =	vst v40  }
0x6d: {  	v55 =	vld [tilespmem:$0x12080];
	v45 =	vsub.s32 v8, v3;
	v44 =	vor.u32 v0, v42;
	[tilespmem:$0x12160] =	vst v41  }
0x6e: {  	v56 =	vld [tilespmem:$0x120C0];
	v47 =	vsub.s32 v9, v3;
	v48 =	vmin.u32 v45, $0xE00;
	[tilespmem:$0x12170] =	vst v44  }
0x6f: {  	v10 =	vshll.u32 v10, $0x1;
	v8 =	vmin.u32 v47, $0xE00;
	[tilespmem:$0x121F0] =	vst v48  }
0x70: {  	v49 =	vld [tilespmem:$0x120B0];
	v7 =	vsub.s32 v46, v3;
	v51 =	vor.u32 v0, v10;
	[tilespmem:$0x121D0] =	vst v8  }
0x71: {  	v54 =	vld [tilespmem:$0x12050];
	v58 =	vsub.s32 v50, v3;
	v57 =	vmin.u32 v7, $0xE00;
	[tilespmem:$0x12140] =	vst v51  }
0x72: {  	v43 =	vld [tilespmem:$0x120A0];
	v52 =	vsub.s32 v11, v3;
	v62 =	vshll.u32 v55, $0x1;
	v60 =	vmin.u32 v58, $0xE00;
	[tilespmem:$0x12220] =	vst v57  }
0x73: {  	v61 =	vsub.s32 v53, v3;
	v3 =	vsub.s32 v56, v3;
	v63 =	vor.u32 v0, v62;
	[tilespmem:$0x121E0] =	vst v60  }
0x74: {  	v3 =	vmin.u32 v3, $0xE00;
	[tilespmem:$0x12180] =	vst v63  }
0x75: {  	v6 =	vshll.u32 v49, $0x1;
	v8 =	vmin.u32 v52, $0xE00;
	[tilespmem:$0x121C0] =	vst v3  }
0x76: {  	v5 =	vshll.u32 v54, $0x1;
	v59 =	vor.u32 v0, v6;
	[tilespmem:$0x12200] =	vst v8  }
0x77: {  	v4 =	vshll.u32 v43, $0x1;
	v5 =	vor.u32 v0, v5;
	[tilespmem:$0x121B0] =	vst v59  }
0x78: {  	v4 =	vor.u32 v0, v4;
	[tilespmem:$0x12150] =	vst v5  }
0x79: {  	[tilespmem:$0x121A0] =	vst v4;
	v4 =	vmin.u32 v61, $0xE00  }
0x7a: {  	[tilespmem:$0x12230] =	vst v4  }
0x7b: {  	[tilespmem:s18], [sflag:$0x1] =	stream.indirect.gather [hbm4b:s4+s16], $0x80, s17, s16, $0xb8;
	[tilespmem:$0x16240] =	vst v63  }
0x7c: {  	_ =	swait.ge [sflag:s19], $0x4000  }
0x7d: {  	s24 =	sadd.s32 s8, s24;
	[sflag:s19] =	ssyncset.done $0x0  }
0x7e: {  	s24 =	sshll.u32 s24, $0x7;
	[sflag:s19] =	ssyncadd.s32 $0xFFFFC000  }
0x7f: {  	[spmem:s1] =	stream.indirect.scatter.add.f32 [tilespmem:s18], [sflag:$0x2], $0x80, s20, s16, $0xb8;
	[tilespmem:$0x16240] =	vst v63  }
0x80: {  	s25 =	sshll.u32 s3, $0x6;
	s24 =	sadd.s32 s10, s24;
	_ =	swait.ge [sflag:s14], $0x4000  }
0x81: {  	s23 =	sadd.s32 $0x1, s23;
	s24 =	sshrl.u32 s24, $0x3;
	[sflag:s14] =	ssyncset.done $0x0  }
0x82: {  	p0 =	sne.s32 s23, $0x3;
	s31 =	sadd.s32 s5, s24;
	[sflag:s14] =	ssyncadd.s32 $0xFFFFC000  }
0x83: {  	s24 =	sor.u32 $0x1C02, s25;
	s25 =	sshrl.u32 s9, $0x3;
	[bflag:$0x0] =	sbarrier.arrive $0xFFFF  }
0x84: {  	[hbm:s31], [sflag:s24] =	dma.local [spmem:s25], $0xE00  }
.Ltmp5:
0x85: {  	_ =	swait.ge [sflag:s14], $0xE00;
	(pc) =	sbr.rel @p0 .LBB2_6-.Ltmp5, $3  }
0x86: {  	[sflag:s14] =	ssyncset.done $0x0  }
0x87: {  	[sflag:s14] =	ssyncadd.s32 $0xFFFFF200  }
0x88: {  	[bflag:$0x0] =	sbarrier.arrive $0xFFFF;
	_ =	sdelay $0x1  }
.Ltmp6:
0x89: {  	(pc) =	sbr.rel .LBB2_10-.Ltmp6, $2  }
0x8a: {  	_ =	sdelay $0x2  }
0x8b: {  	s23 =	simm.s32 $0x0;
	p1 =	por $0x1, $0x1  }
.LBB2_14:
.Ltmp7:
0x8c: {  	(pc) =	sbr.rel @!p0 .LBB2_15-.Ltmp7, $2  }
0x8d: {  	_ =	sdelay $0x2  }
0x8e: {  	s23 =	simm.s32 $0x2;
	p1 =	por $0x0, $0x0  }
.LBB2_10:
0x8f: {  	s23 =	sor.u32 s6, s23  }
0x90: {  	p2 =	seq.s32 s23, $0x3  }
.Ltmp8:
0x91: {  	_ = 	snop;
	(pc) =	sbr.rel @p2 .LBB2_14-.Ltmp8, $2  }
0x92: {  	_ =	sdelay $0x2  }
0x93: {  	p0 =	por p1, p1  }
0x94: {  	[spmem:s9] =	stream.linear.scatter [tilespmem:s13], [sflag:$0x2], $0x7000, $0x38;
	[tilespmem:$0x16240] =	vst v63  }
0x95: {  	_ =	swait.ge [sflag:s14], $0x7000  }
0x96: {  	[sflag:s14] =	ssyncset.done $0x0  }
0x97: {  	[sflag:s14] =	ssyncadd.s32 $0xFFFF9000  }
0x98: {  	s26 =	sadd.s32 $0x10, s12;
	[bflag:$0x0] =	sbarrier.arrive $0xFFFF  }
0x99: {  	[tilespmem:s20], [sflag:$0x2] =	stream.linear.gather [hbm4b:s26+s2], $0x80, $0x38;
	[tilespmem:$0x16240] =	vst v63  }
0x9a: {  	_ =	swait.ge [sflag:s14], $0x80  }
0x9b: {  	[sflag:s14] =	ssyncset.done $0x0  }
0x9c: {  	[sflag:s14] =	ssyncadd.s32 $0xFFFFFF80  }
0x9d: {  	v4 =	vld [tilespmem:$0x121C0]  }
0x9e: {  	v5 =	vld [tilespmem:$0x121F0]  }
0x9f: {  	s23 =	smul.u32 $0xE00, s23;
	v6 =	vld [tilespmem:$0x12230]  }
0xa0: {  	v7 =	vld [tilespmem:$0x12220]  }
0xa1: {  	v3 =	vmov s23;
	v8 =	vld [tilespmem:$0x121D0]  }
0xa2: {  	v9 =	vld [tilespmem:$0x12210];
	v4 =	vsub.s32 v4, v3  }
0xa3: {  	v10 =	vld [tilespmem:$0x121E0];
	v5 =	vsub.s32 v5, v3;
	v4 =	vmin.u32 v4, $0xE00  }
0xa4: {  	v6 =	vsub.s32 v6, v3;
	[tilespmem:$0x121C0] =	vst v4;
	v4 =	vmin.u32 v5, $0xE00;
	v5 =	vld [tilespmem:$0x12200]  }
0xa5: {  	v6 =	vmin.u32 v6, $0xE00;
	[tilespmem:$0x121F0] =	vst v4;
	v4 =	vsub.s32 v7, v3  }
0xa6: {  	[tilespmem:$0x12230] =	vst v6;
	v7 =	vsub.s32 v8, v3;
	v4 =	vmin.u32 v4, $0xE00  }
0xa7: {  	v6 =	vmin.u32 v7, $0xE00;
	v7 =	vsub.s32 v9, v3;
	[tilespmem:$0x12220] =	vst v4  }
0xa8: {  	[tilespmem:$0x121D0] =	vst v6;
	v4 =	vsub.s32 v10, v3;
	v6 =	vmin.u32 v7, $0xE00  }
0xa9: {  	s28 =	simm.s32 $0x30;
	s29 =	simm.s32 $0x70;
	s26 =	simm.s32 $0x50;
	v4 =	vmin.u32 v4, $0xE00;
	[tilespmem:$0x12210] =	vst v6;
	v5 =	vsub.s32 v5, v3  }
.LBB2_12:
0xaa: {  	p1 =	sne.s32 s29, $0x9D0;
	[tilespmem:$0x121E0] =	vst v4;
	v4 =	vmin.u32 v5, $0xE00;
	s30 =	smov.u32 s29;
	s29 =	sadd.s32 $0x20, s29  }
0xab: {  	[tilespmem:$0x12200] =	vst v4  }
0xac: {  	[spmem:s1] =	stream.indirect.scatter.add.f32 [tilespmem:s21], [sflag:$0x2], $0x80, s20, s16, $0xb8;
	[tilespmem:$0x16240] =	vst v63  }
0xad: {  	_ =	swait.ge [sflag:s14], $0x4000  }
0xae: {  	[sflag:s14] =	ssyncset.done $0x0  }
0xaf: {  	s31 =	sadd.s32 s28, s12;
	s28 =	smov.u32 s26;
	[sflag:s14] =	ssyncadd.s32 $0xFFFFC000  }
0xb0: {  	[tilespmem:s20], [sflag:$0x2] =	stream.linear.gather [hbm4b:s31+s2], $0x80, $0x38;
	[tilespmem:$0x16240] =	vst v63  }
0xb1: {  	s26 =	smov.u32 s30;
	_ =	swait.ge [sflag:s14], $0x80  }
0xb2: {  	[sflag:s14] =	ssyncset.done $0x0  }
0xb3: {  	[sflag:s14] =	ssyncadd.s32 $0xFFFFFF80  }
0xb4: {  	v4 =	vld [tilespmem:$0x121C0]  }
0xb5: {  	v5 =	vld [tilespmem:$0x121F0]  }
0xb6: {  	v6 =	vld [tilespmem:$0x12230]  }
0xb7: {  	v7 =	vld [tilespmem:$0x12220]  }
0xb8: {  	v8 =	vld [tilespmem:$0x121D0]  }
0xb9: {  	v4 =	vsub.s32 v4, v3;
	v9 =	vld [tilespmem:$0x12210]  }
0xba: {  	v4 =	vmin.u32 v4, $0xE00;
	v10 =	vld [tilespmem:$0x121E0];
	v5 =	vsub.s32 v5, v3  }
0xbb: {  	[tilespmem:$0x121C0] =	vst v4;
	v4 =	vmin.u32 v5, $0xE00;
	v5 =	vld [tilespmem:$0x12200];
	v6 =	vsub.s32 v6, v3  }
.Ltmp9:
0xbc: {  	[tilespmem:$0x121F0] =	vst v4;
	v4 =	vsub.s32 v7, v3;
	v6 =	vmin.u32 v6, $0xE00;
	(pc) =	sbr.rel @p1 .LBB2_12-.Ltmp9, $4  }
0xbd: {  	v7 =	vsub.s32 v8, v3;
	v4 =	vmin.u32 v4, $0xE00;
	[tilespmem:$0x12230] =	vst v6  }
0xbe: {  	v6 =	vmin.u32 v7, $0xE00;
	v7 =	vsub.s32 v9, v3;
	[tilespmem:$0x12220] =	vst v4  }
0xbf: {  	[tilespmem:$0x121D0] =	vst v6;
	v4 =	vsub.s32 v10, v3;
	v6 =	vmin.u32 v7, $0xE00  }
0xc0: {  	v4 =	vmin.u32 v4, $0xE00;
	v5 =	vsub.s32 v5, v3;
	[tilespmem:$0x12210] =	vst v6  }
0xc1: {  	[tilespmem:$0x121E0] =	vst v4;
	v37 =	vmin.u32 v5, $0xE00  }
0xc2: {  	[tilespmem:$0x12200] =	vst v37  }
0xc3: {  	[spmem:s1] =	stream.indirect.scatter.add.f32 [tilespmem:s21], [sflag:$0x2], $0x80, s20, s16, $0xb8;
	[tilespmem:$0x16240] =	vst v63  }
0xc4: {  	_ =	swait.ge [sflag:s14], $0x4000  }
0xc5: {  	[sflag:s14] =	ssyncset.done $0x0  }
0xc6: {  	s28 =	sadd.s32 s28, s12;
	[sflag:s14] =	ssyncadd.s32 $0xFFFFC000  }
0xc7: {  	[tilespmem:s20], [sflag:$0x2] =	stream.linear.gather [hbm4b:s28+s2], $0x80, $0x38;
	[tilespmem:$0x16240] =	vst v63  }
0xc8: {  	_ =	swait.ge [sflag:s14], $0x80  }
0xc9: {  	[sflag:s14] =	ssyncset.done $0x0  }
0xca: {  	[sflag:s14] =	ssyncadd.s32 $0xFFFFFF80  }
0xcb: {  	v38 =	vld [tilespmem:$0x121C0]  }
0xcc: {  	v39 =	vld [tilespmem:$0x121F0]  }
0xcd: {  	v6 =	vld [tilespmem:$0x12230]  }
0xce: {  	v8 =	vld [tilespmem:$0x121D0]  }
0xcf: {  	v9 =	vld [tilespmem:$0x12210]  }
0xd0: {  	v7 =	vld [tilespmem:$0x12220];
	v4 =	vsub.s32 v38, v3  }
0xd1: {  	v41 =	vld [tilespmem:$0x12200];
	v5 =	vsub.s32 v39, v3;
	v4 =	vmin.u32 v4, $0xE00  }
0xd2: {  	v10 =	vld [tilespmem:$0x121E0];
	v6 =	vsub.s32 v6, v3;
	v40 =	vmin.u32 v5, $0xE00;
	[tilespmem:$0x121C0] =	vst v4  }
0xd3: {  	v43 =	vsub.s32 v8, v3;
	v6 =	vmin.u32 v6, $0xE00;
	[tilespmem:$0x121F0] =	vst v40  }
0xd4: {  	v45 =	vsub.s32 v9, v3;
	v44 =	vmin.u32 v43, $0xE00;
	[tilespmem:$0x12230] =	vst v6  }
0xd5: {  	v42 =	vsub.s32 v7, v3;
	v47 =	vmin.u32 v45, $0xE00;
	[tilespmem:$0x121D0] =	vst v44  }
0xd6: {  	v5 =	vsub.s32 v41, v3;
	v4 =	vmin.u32 v42, $0xE00;
	[tilespmem:$0x12210] =	vst v47  }
0xd7: {  	v46 =	vsub.s32 v10, v3;
	v48 =	vmin.u32 v5, $0xE00;
	[tilespmem:$0x12220] =	vst v4  }
0xd8: {  	v4 =	vmin.u32 v46, $0xE00;
	[tilespmem:$0x12200] =	vst v48  }
0xd9: {  	[tilespmem:$0x121E0] =	vst v4  }
0xda: {  	[spmem:s1] =	stream.indirect.scatter.add.f32 [tilespmem:s21], [sflag:$0x2], $0x80, s20, s16, $0xb8;
	[tilespmem:$0x16240] =	vst v63  }
0xdb: {  	_ =	swait.ge [sflag:s14], $0x4000  }
0xdc: {  	[sflag:s14] =	ssyncset.done $0x0  }
0xdd: {  	s26 =	sadd.s32 s26, s12;
	[sflag:s14] =	ssyncadd.s32 $0xFFFFC000  }
0xde: {  	[tilespmem:s20], [sflag:$0x2] =	stream.linear.gather [hbm4b:s26+s2], $0x80, $0x38;
	[tilespmem:$0x16240] =	vst v63  }
0xdf: {  	_ =	swait.ge [sflag:s14], $0x80  }
0xe0: {  	[sflag:s14] =	ssyncset.done $0x0  }
0xe1: {  	[sflag:s14] =	ssyncadd.s32 $0xFFFFFF80  }
0xe2: {  	v49 =	vld [tilespmem:$0x121C0]  }
0xe3: {  	v50 =	vld [tilespmem:$0x121F0]  }
0xe4: {  	v51 =	vld [tilespmem:$0x12230]  }
0xe5: {  	v52 =	vld [tilespmem:$0x12220]  }
0xe6: {  	v53 =	vld [tilespmem:$0x121D0]  }
0xe7: {  	v54 =	vld [tilespmem:$0x12210]  }
0xe8: {  	v55 =	vld [tilespmem:$0x121E0]  }
0xe9: {  	v57 =	vld [tilespmem:$0x12200];
	v4 =	vsub.s32 v49, v3  }
0xea: {  	v5 =	vsub.s32 v50, v3;
	v4 =	vmin.u32 v4, $0xE00  }
0xeb: {  	v6 =	vsub.s32 v51, v3;
	v56 =	vmin.u32 v5, $0xE00;
	[tilespmem:$0x121C0] =	vst v4  }
0xec: {  	v59 =	vsub.s32 v53, v3;
	v6 =	vmin.u32 v6, $0xE00;
	[tilespmem:$0x121F0] =	vst v56  }
0xed: {  	v58 =	vsub.s32 v52, v3;
	v61 =	vsub.s32 v54, v3;
	v60 =	vmin.u32 v59, $0xE00;
	[tilespmem:$0x12230] =	vst v6  }
0xee: {  	v62 =	vsub.s32 v55, v3;
	v3 =	vsub.s32 v57, v3;
	v63 =	vmin.u32 v61, $0xE00;
	[tilespmem:$0x121D0] =	vst v60  }
0xef: {  	v3 =	vmin.u32 v3, $0xE00;
	[tilespmem:$0x12210] =	vst v63  }
0xf0: {  	v4 =	vmin.u32 v58, $0xE00;
	[tilespmem:$0x12200] =	vst v3  }
0xf1: {  	[tilespmem:$0x12220] =	vst v4;
	v4 =	vmin.u32 v62, $0xE00  }
0xf2: {  	[tilespmem:$0x121E0] =	vst v4  }
0xf3: {  	[spmem:s1] =	stream.indirect.scatter.add.f32 [tilespmem:s21], [sflag:$0x2], $0x80, s20, s16, $0xb8;
	[tilespmem:$0x16240] =	vst v63  }
0xf4: {  	_ =	swait.ge [sflag:s14], $0x4000  }
0xf5: {  	s23 =	sadd.s32 s8, s23;
	[sflag:s14] =	ssyncset.done $0x0  }
0xf6: {  	s23 =	sshll.u32 s23, $0x4;
	[sflag:s14] =	ssyncadd.s32 $0xFFFFC000  }
0xf7: {  	s23 =	sadd.s32 s7, s23;
	[bflag:$0x0] =	sbarrier.arrive $0xFFFF  }
0xf8: {  	[hbm:s23], [sflag:s24] =	dma.local [spmem:s25], $0xE00  }
.Ltmp10:
0xf9: {  	_ =	swait.ge [sflag:s14], $0xE00;
	(pc) =	sbr.rel .LBB2_14-.Ltmp10, $3  }
0xfa: {  	[sflag:s14] =	ssyncset.done $0x0  }
0xfb: {  	[sflag:s14] =	ssyncadd.s32 $0xFFFFF200  }
0xfc: {  	[bflag:$0x0] =	sbarrier.arrive $0xFFFF;
	_ =	sdelay $0x1  }
.LBB2_16:
0xfd: {  	_ =	sfence.sel $0x180000  }
0xfe: {  	[bflag:$0x0] =	sbarrier.arrive $0xFFFF  }
0xff: {  	p0 =	sne.s32 s3, $0x0;
	_ =	strace $0x90000047  }
0x100: {  	s0 =	sadd.s32 @!p0 $0x100000, s0;
	[bflag:$0x2] =	sbarrier.arrive $0xFFFF  }
0x101: {  	[sflag:s0] =	ssyncadd.tile.s32 @!p0 $0x1;
	_ =	shalt  }
.Lfunc_end2:
_tile_overlayer_lowered:
.L_overlay_start_2:
0x102: {  	(tag) =	ssettag $0x2  }
0x103: {  	s0 =	rddreg [dreg:$0x0];
	s2 =	stileid.u32  }
0x104: {  	s1 =	rddreg [dreg:$0x1];
	p0 =	sne.s32 s2, $0x0  }
0x105: {  	s3 =	rddreg [dreg:$0x2];
	[bflag:$0x3] =	sbarrier.arrive $0xFFFF;
	s2 =	simm.s32 @!p0 $0x1C02  }
0x106: {  	[timem:s3], [sflag:s2] =	dma.local @!p0 [hbm:s0], s1  }
0x107: {  	s0 =	simm.s32 @!p0 $0x2  }
0x108: {  	_ =	swait.ge @!p0 [sflag:s0], s1  }
0x109: {  	s1 =	ssub.s32 @!p0 $0x0, s1;
	[sflag:s0] =	ssyncset.done @!p0 $0x0  }
0x10a: {  	[sflag:s0] =	ssyncadd.s32 @!p0 s1  }
0x10b: {  	[bflag:$0x3] =	sbarrier.arrive $0xFFFF  }
0x10c: {  	_ =	shalt  }

// kernel: kernel.9.cloned.1.call-start
scs
__scs_entry_jumppad:
0x0: {  	(pc) =	sbr.rel $0x88, $3  }
0x1: {  	(tag) =	ssettag $0x0;
	lr =	simm.s32 $0x1  }
0x2: {  	[smem:$0x3F97] =	sst lr;
	_ =	strace $0xD0000000  }
0x3: {  	_ = 	snop  }
0x4: {  	_ = 	snop  }
0x5: {  	_ = 	snop  }
0x6: {  	_ = 	snop  }
0x7: {  	_ = 	snop  }
__scs_overlays_trampoline_lowered:
0x8: {  	[smem:$0x3FA6] =	sst s0  }
0x9: {  	[smem:$0x3FA7] =	sst s1  }
0xa: {  	[smem:$0x3FA8] =	sst s2  }
0xb: {  	[smem:$0x3FA9] =	sst s3  }
0xc: {  	[smem:$0x3FAA] =	sst s4  }
0xd: {  	[smem:$0x3FAB] =	sst s5  }
0xe: {  	[smem:$0x3FAC] =	sst s6  }
0xf: {  	[smem:$0x3FAD] =	sst s7  }
0x10: {  	[smem:$0x3FAE] =	sst s8  }
0x11: {  	[smem:$0x3FAF] =	sst s9;
	s0 =	simm.s32 @!p0 $0x0  }
0x12: {  	s1 =	sld [smem:$0x3F95];
	s0 =	simm.s32 @p0 $0x1  }
0x13: {  	[smem:$0x3FB0] =	sst s0;
	s0 =	simm.s32 @!p1 $0x0  }
0x14: {  	s2 =	sld [smem:$0x3F94];
	s0 =	simm.s32 @p1 $0x1  }
0x15: {  	[smem:$0x3FB1] =	sst s0;
	s0 =	simm.s32 @!p2 $0x0  }
0x16: {  	s3 =	sld [smem:$0x3FDB];
	s0 =	simm.s32 @p2 $0x1  }
0x17: {  	s4 =	simm.s32 $0x1BF5;
	[smem:$0x3FB3] =	sst s0  }
0x18: {  	s0 =	sld [smem:$0x3F96];
	_ =	swait.ge [sflag:s4], $0x0  }
0x19: {  	s7 =	sld [smem:$0x3F97]  }
0x1a: {  	s8 =	sadd.s32 $0xFFFFE003, lr  }
0x1b: {  	s9 =	sadd.s32 $0xFFFFFEF7, lr;
	s5 =	simm.s32 $0xFFFFFFFF;
	p2 =	slt.u32 s8, $0xFFFFF086  }
0x1c: {  	p1 =	slt.u32 s9, $0xF7A;
	s5 =	simm.s32 @!p2 $0x0  }
0x1d: {  	s5 =	simm.s32 @p1 $0x1;
	p0 =	seq.s32 s7, s2  }
0x1e: {  	s7 =	smul.u32 @!p0 $0xF7A, s2;
	p2 =	seq.s32 @!p0 s5, $0x0  }
0x1f: {  	s9 =	smul.u32 $0xF7A, s1;
	s8 =	simm.s32 @!p0 $0x1BF5;
	p2 =	por !p2, p0  }
0x20: {  	[sflag:s8] =	ssyncset.s32 @!p0 $0xFFFFF086;
	s6 =	sadd.s32 @!p0 s3, s7;
	s7 =	simm.s32 @!p0 $0x108  }
0x21: {  	s3 =	sadd.s32 s3, s9;
	s6 =	sadd.s32 @!p0 $0x88, s6;
	s7 =	simm.s32 @p2 $0x1082  }
0x22: {  	[simem:s7], [sflag:s8] =	dma.local @!p0 [hbm:s6], $0xF7A  }
0x23: {  	s9 =	sor.u32 $0xD0000000, s2;
	s6 =	simm.s32 $0x108;
	_ =	swait.ge @!p0 [sflag:s8], $0x0  }
0x24: {  	s3 =	sadd.s32 $0x88, s3;
	s6 =	simm.s32 @!p1 $0x1082;
	[sflag:s4] =	ssyncset.s32 $0xFFFFF086  }
0x25: {  	[simem:s6], [sflag:s4] =	dma.local [hbm:s3], $0xF7A  }
0x26: {  	[smem:$0x3F97] =	sst s1;
	(tag) =	ssettag s2;
	_ =	strace s9  }
0x27: {  	s1 =	sld [smem:$0x3FA7]  }
0x28: {  	s2 =	sld [smem:$0x3FA8]  }
0x29: {  	s4 =	sld [smem:$0x3FAA]  }
0x2a: {  	p0 =	seq.s32 s5, $0x0;
	s5 =	sld [smem:$0x3FAB]  }
0x2b: {  	s6 =	sld [smem:$0x3FAC]  }
0x2c: {  	s7 =	sld [smem:$0x3FAD]  }
0x2d: {  	s3 =	simm.s32 $0x108;
	s8 =	sld [smem:$0x3FAE]  }
0x2e: {  	s3 =	simm.s32 @!p0 $0x1082;
	s9 =	sld [smem:$0x3FAF]  }
0x2f: {  	lr =	sadd.s32 s0, s3;
	s0 =	sld [smem:$0x3FA6]  }
0x30: {  	s3 =	sld [smem:$0x3FA9]  }
0x31: {  	[smem:$0x3FB2] =	sst s10  }
0x32: {  	s10 =	sld [smem:$0x3FB0];
	_ =	sdelay $0x3  }
0x33: {  	p0 =	seq.s32 s10, $0x1;
	s10 =	sld [smem:$0x3FB2];
	_ =	sdelay $0x3  }
0x34: {  	[smem:$0x3FB2] =	sst s10  }
0x35: {  	s10 =	sld [smem:$0x3FB1];
	_ =	sdelay $0x3  }
0x36: {  	p1 =	seq.s32 s10, $0x1;
	s10 =	sld [smem:$0x3FB2];
	_ =	sdelay $0x3  }
0x37: {  	[smem:$0x3FB2] =	sst s10  }
0x38: {  	s10 =	sld [smem:$0x3FB3]  }
0x39: {  	_ = 	snop;
	(pc) =	sbr.ind lr, $3  }
0x3a: {  	_ = 	snop  }
0x3b: {  	_ = 	snop  }
0x3c: {  	p2 =	seq.s32 s10, $0x1;
	s10 =	sld [smem:$0x3FB2]  }
0x3d: {  	_ =	shalt  }
0x3e: {  	_ =	shalt  }
0x3f: {  	_ =	shalt  }
0x40: {  	_ =	shalt  }
0x41: {  	_ =	shalt  }
0x42: {  	_ =	shalt  }
0x43: {  	_ =	shalt  }
0x44: {  	_ =	shalt  }
0x45: {  	_ =	shalt  }
0x46: {  	_ =	shalt  }
0x47: {  	_ =	shalt  }
0x48: {  	_ =	shalt  }
0x49: {  	_ =	shalt  }
0x4a: {  	_ =	shalt  }
0x4b: {  	_ =	shalt  }
0x4c: {  	_ =	shalt  }
0x4d: {  	_ =	shalt  }
0x4e: {  	_ =	shalt  }
0x4f: {  	_ =	shalt  }
0x50: {  	_ =	shalt  }
0x51: {  	_ =	shalt  }
0x52: {  	_ =	shalt  }
0x53: {  	_ =	shalt  }
0x54: {  	_ =	shalt  }
0x55: {  	_ =	shalt  }
0x56: {  	_ =	shalt  }
0x57: {  	_ =	shalt  }
0x58: {  	_ =	shalt  }
0x59: {  	_ =	shalt  }
0x5a: {  	_ =	shalt  }
0x5b: {  	_ =	shalt  }
0x5c: {  	_ =	shalt  }
0x5d: {  	_ =	shalt  }
0x5e: {  	_ =	shalt  }
0x5f: {  	_ =	shalt  }
0x60: {  	_ =	shalt  }
0x61: {  	_ =	shalt  }
0x62: {  	_ =	shalt  }
0x63: {  	_ =	shalt  }
0x64: {  	_ =	shalt  }
0x65: {  	_ =	shalt  }
0x66: {  	_ =	shalt  }
0x67: {  	_ =	shalt  }
0x68: {  	_ =	shalt  }
0x69: {  	_ =	shalt  }
0x6a: {  	_ =	shalt  }
0x6b: {  	_ =	shalt  }
0x6c: {  	_ =	shalt  }
0x6d: {  	_ =	shalt  }
0x6e: {  	_ =	shalt  }
0x6f: {  	_ =	shalt  }
0x70: {  	_ =	shalt  }
0x71: {  	_ =	shalt  }
0x72: {  	_ =	shalt  }
0x73: {  	_ =	shalt  }
0x74: {  	_ =	shalt  }
0x75: {  	_ =	shalt  }
0x76: {  	_ =	shalt  }
0x77: {  	_ =	shalt  }
0x78: {  	_ =	shalt  }
0x79: {  	_ =	shalt  }
0x7a: {  	_ =	shalt  }
0x7b: {  	_ =	shalt  }
0x7c: {  	_ =	shalt  }
0x7d: {  	_ =	shalt  }
0x7e: {  	_ =	shalt  }
0x7f: {  	_ =	shalt  }
0x80: {  	_ =	shalt  }
0x81: {  	_ =	shalt  }
0x82: {  	_ =	shalt  }
0x83: {  	_ =	shalt  }
0x84: {  	_ =	shalt  }
0x85: {  	_ =	shalt  }
0x86: {  	_ =	shalt  }
0x87: {  	_ =	shalt  }
.Lfunc_end0:
.L_simem_size_0:
called_computation.1_lowered:
.L_overlay_start_0:
0x88: {  	s2 =	sld [smem:$0x3FD9]  }
0x89: {  	s3 =	sld [smem:$0x3FFE];
	_ =	sdelay $0x1  }
0x8a: {  	s1 =	srdreg.scid  }
0x8b: {  	s0 =	sand.u32 $0x1, s1  }
0x8c: {  	s17 =	sshll.u32 s0, $0xA;
	s2 =	sadd.s32 s3, s2  }
0x8d: {  	s2 =	sadd.s32 s2, s17  }
0x8e: {  	[smem:$0x3FBE] =	sst s2  }
0x8f: {  	_ = 	snop  }
0x90: {  	s2 =	sld [smem:$0x3FD0];
	(tm) =	ssettm $0x1  }
0x91: {  	s18 =	sld [smem:$0x3FFB];
	_ =	sdelay $0x3  }
0x92: {  	_ =	strace s18  }
0x93: {  	s3 =	sld [smem:$0x3FFC];
	_ =	sdelay $0x3  }
0x94: {  	_ =	strace s3  }
0x95: {  	s3 =	sld [smem:$0x3FFD];
	_ =	sdelay $0x3  }
0x96: {  	_ =	strace s3  }
0x97: {  	_ =	strace $0x8FFFFFFF  }
0x98: {  	s19 =	sld [smem:$0x3FDB];
	_ =	sdelay $0x1  }
0x99: {  	s4 =	simm.s32 $_scs_section_size  }
0x9a: {  	s5 =	simm.s32 $_size__tile_overlayer_lowered;
	s6 =	simm.s32 $_tile_overlayer_lowered  }
0x9b: {  	s22 =	simm.s32 $0x1BFF;
	s21 =	sshll.u32 s6, $0x1;
	s3 =	sadd.s32 s4, s19  }
0x9c: {  	s7 =	simm.s32 $0x0;
	s20 =	sshll.u32 s5, $0x1;
	s5 =	sadd.s32 s21, s3  }
0x9d: {  	[timem:s7], [sflag:s22] =	dma.local [hbm:s5], s20  }
0x9e: {  	_ =	swait.ge [sflag:s22], s20  }
0x9f: {  	s4 =	ssub.s32 $0x0, s20;
	[sflag:s22] =	ssyncset.done $0x0  }
0xa0: {  	[sflag:s22] =	ssyncadd.s32 s4;
	_ =	sdelay $0x1  }
0xa1: {  	s23 =	simm.s32 $0x1B8B  }
0xa2: {  	_ =	swait.ge [sflag:s23], $0x1  }
0xa3: {  	[sflag:s23] =	ssyncset.done $0x0  }
0xa4: {  	s25 =	simm.s32 $0x1B8E;
	s24 =	sld [smem:$0x3FFE];
	[sflag:s23] =	ssyncadd.s32 $0xFFFFFFFF  }
0xa5: {  	s26 =	simm.s32 $execute0_lowered;
	[smem:$0x3FD2] =	sst s25  }
0xa6: {  	s5 =	sshll.u32 s26, $0x1;
	_ =	strace $0x80000049;
	[dreg:$0x1] =	wrdreg $0xFFFFFFFF  }
0xa7: {  	s28 =	simm.s32 $_size_execute0_lowered;
	s3 =	sadd.s32 s3, s5;
	[dreg:$0x0] =	wrdreg $0x0  }
0xa8: {  	s5 =	sshll.u32 s28, $0x1;
	[dreg:$0x2] =	wrdreg s3  }
0xa9: {  	[dreg:$0x3] =	wrdreg s5  }
0xaa: {  	[dreg:$0x4] =	wrdreg $0xC0  }
0xab: {  	_ =	task [dreg:s7], $0x5FFFF  }
0xac: {  	[dreg:$0x1] =	wrdreg $0xFFFFFFFF  }
0xad: {  	[dreg:$0x0] =	wrdreg $0x60  }
0xae: {  	[dreg:$0x2] =	wrdreg s24  }
0xaf: {  	[dreg:$0x3] =	wrdreg s2  }
0xb0: {  	[dreg:$0x4] =	wrdreg $0x0  }
0xb1: {  	[dreg:$0x5] =	wrdreg $0x9  }
0xb2: {  	_ =	task.clear_ibuf [dreg:s7], $0x6FFFF;
	_ =	strace $0x90000049  }
0xb3: {  	s29 =	simm.s32 $0x9;
	_ =	strace $0x8000004B  }
0xb4: {  	_ =	swait.ge [sflag:s29], $0x1  }
0xb5: {  	[sflag:s29] =	ssyncadd.s32 $0xFFFFFFFF  }
0xb6: {  	_ =	strace $0x9000004B  }
0xb7: {  	_ =	sfence  }
0xb8: {  	s30 =	sld [smem:$0x0];
	_ =	sdelay $0x2  }
0xb9: {  	s31 =	sshll.u32 s1, $0xD;
	s1 =	sshrl.u32 s1, $0x2  }
0xba: {  	s3 =	sand.u32 $0x4000, s31;
	s1 =	sadd.s32 s1, s30  }
0xbb: {  	s0 =	sor.u32 s3, s0;
	s1 =	sshll.u32 s1, $0x11  }
0xbc: {  	s0 =	sor.u32 s1, s0  }
0xbd: {  	s0 =	sadd.s32 $0x8F2B, s0  }
0xbe: {  	[sflag:s0] =	ssyncadd.remote.s32 $0x1  }
0xbf: {  	_ =	sfence.sel $0xFFFF  }
0xc0: {  	[dreg:$0x0] =	wrdreg $0xFFFFFFFF;
	(pc) =	sbr.abs _section_cstart, $3  }
0xc1: {  	[dreg:$0x1] =	wrdreg $0xFFFFFFFF  }
0xc2: {  	_ =	task.clear_ibuf [dreg:s7], $0x2FFFF;
	_ =	strace $0x9FFFFFFF  }
0xc3: {  	(tm) =	ssettm $0x7FFFFFFF  }
tec
execute0_lowered:
.L_overlay_start_1:
0x0: {  	(tag) =	ssettag $0x1  }
0x1: {  	s5 =	rddreg [dreg:$0x0]  }
0x2: {  	s10 =	rddreg [dreg:$0x1]  }
0x3: {  	s1 =	rddreg [dreg:$0x2]  }
0x4: {  	s0 =	rddreg [dreg:$0x3]  }
0x5: {  	s3 =	simm.s32 $0x0;
	s4 =	srdreg.scid;
	s2 =	stileid.u32  }
0x6: {  	s12 =	simm.s32 $0x2;
	s13 =	simm.s32 $0xE040;
	s14 =	simm.s32 $0x80  }
0x7: {  	s15 =	simm.s32 $0xE140;
	s16 =	simm.s32 $0xE240;
	s17 =	simm.s32 $0x1  }
0x8: {  	s20 =	simm.s32 $0x0;
	[smem:$0x7FF] =	sst s3;
	s8 =	smul.u32 $0x1C000, s2  }
0x9: {  	s18 =	sand.u32 $0x1, s4;
	s4 =	sadd.s32 $0x1E00, s5;
	s6 =	smul.u32 $0xE0, s2  }
0xa: {  	s5 =	sadd.s32 $0x50000, s5;
	s11 =	smul.u32 $0x9E0, s2;
	s19 =	sshll.u32 s2, $0x6  }
0xb: {  	_ =	strace $0x8000004A;
	s7 =	ssub.s32 $0x2, s18;
	s19 =	sor.u32 $0x1C02, s19  }
0xc: {  	s9 =	sshrl.u32 s7, $0x1;
	s31 =	sshrl.u32 s8, $0x2;
	s8 =	smul.u32 $0x150000, s18  }
0xd: {  	s10 =	sadd.s32 s11, s10;
	s11 =	simm.s32 $0x7040;
	s9 =	ssub.s32 s7, s9  }
0xe: {  	v1 =	vimm.f32 $0.0e+00;
	v0 =	vmov s18;
	s18 =	simm.s32 $0xE1C0;
	s7 =	sadd.s32 s31, s1;
	s9 =	smax.u32 s9, $0x1  }
.LBB2_1:
0xf: {  	s22 =	simm.s32 $0x0;
	s21 =	simm.s32 $0x200  }
.LBB2_2:
0x10: {  	p0 =	sne.s32 s21, $0x1BE00;
	[tilespmem:s22+$0x70B0] =	vst v1  }
0x11: {  	[tilespmem:s22+$0x7040] =	vst v1  }
0x12: {  	[tilespmem:s22+$0x7050] =	vst v1  }
.Ltmp0:
0x13: {  	[tilespmem:s22+$0x7060] =	vst v1;
	(pc) =	sbr.rel @p0 .LBB2_2-.Ltmp0, $4  }
0x14: {  	[tilespmem:s22+$0x7070] =	vst v1  }
0x15: {  	[tilespmem:s22+$0x7080] =	vst v1  }
0x16: {  	[tilespmem:s22+$0x7090] =	vst v1  }
0x17: {  	[tilespmem:s22+$0x70A0] =	vst v1;
	s22 =	sshra.s32 s21, $0x2;
	s21 =	sadd.s32 $0x200, s21  }
0x18: {  	[tilespmem:s22+$0x70B0] =	vst v1  }
0x19: {  	[tilespmem:s22+$0x7040] =	vst v1  }
0x1a: {  	[tilespmem:s22+$0x7050] =	vst v1  }
0x1b: {  	[tilespmem:s22+$0x7060] =	vst v1  }
0x1c: {  	[tilespmem:s22+$0x7070] =	vst v1  }
0x1d: {  	[tilespmem:s22+$0x7080] =	vst v1  }
0x1e: {  	[tilespmem:s22+$0x7090] =	vst v1  }
0x1f: {  	s21 =	simm.s32 $0x0;
	[tilespmem:s22+$0x70A0] =	vst v1  }
.LBB2_4:
0x20: {  	[spmem:s7] =	stream.linear.scatter [tilespmem:s11], [sflag:$0x2], $0x7000, $0x38;
	[tilespmem:$0x12240] =	vst v63  }
0x21: {  	_ =	swait.ge [sflag:s12], $0x7000  }
0x22: {  	s22 =	smul.u32 $0xE00, s21;
	[sflag:s12] =	ssyncset.done $0x0  }
0x23: {  	[sflag:s12] =	ssyncadd.s32 $0xFFFF9000  }
0x24: {  	s23 =	simm.s32 $0x20;
	s24 =	sadd.s32 $0x0, s10;
	v2 =	vmov s22;
	[bflag:$0x0] =	sbarrier.arrive $0xFFFF  }
.LBB2_5:
0x25: {  	[tilespmem:s13], [sflag:$0x2] =	stream.linear.gather [hbm4b:s24+s3], $0x100, $0x38;
	[tilespmem:$0x12240] =	vst v63  }
0x26: {  	s24 =	smov.u32 s23  }
0x27: {  	p0 =	sne.s32 s23, $0x9C0;
	s23 =	sadd.s32 $0x20, s23;
	_ =	swait.ge [sflag:s12], $0x100  }
0x28: {  	[sflag:s12] =	ssyncset.done $0x0  }
0x29: {  	[sflag:s12] =	ssyncadd.s32 $0xFFFFFF00  }
0x2a: {  	v3 =	vld [tilespmem:$0xE0D0]  }
0x2b: {  	v4 =	vld [tilespmem:$0xE090]  }
0x2c: {  	v5 =	vld [tilespmem:$0xE110]  }
0x2d: {  	v6 =	vld [tilespmem:$0xE060]  }
0x2e: {  	v7 =	vld [tilespmem:$0xE070]  }
0x2f: {  	v8 =	vld [tilespmem:$0xE0F0]  }
0x30: {  	v9 =	vld [tilespmem:$0xE0E0];
	v4 =	vshll.u32 v4, $0x1  }
0x31: {  	v3 =	vsub.s32 v3, v2;
	v10 =	vld [tilespmem:$0xE040];
	v4 =	vor.u32 v0, v4;
	v5 =	vsub.s32 v5, v2  }
0x32: {  	v3 =	vmin.u32 v3, $0xE00;
	v6 =	vshll.u32 v6, $0x1;
	v11 =	vld [tilespmem:$0xE100];
	[tilespmem:$0xE190] =	vst v4;
	v4 =	vmin.u32 v5, $0xE00  }
0x33: {  	v5 =	vor.u32 v0, v6;
	v6 =	vshll.u32 v7, $0x1;
	[tilespmem:$0xE210] =	vst v4;
	v4 =	vld [tilespmem:$0xE0A0]  }
0x34: {  	[tilespmem:$0xE160] =	vst v5;
	v5 =	vor.u32 v0, v6;
	v6 =	vsub.s32 v8, v2;
	v7 =	vld [tilespmem:$0xE120]  }
0x35: {  	v8 =	vsub.s32 v9, v2;
	[tilespmem:$0xE170] =	vst v5;
	v5 =	vmin.u32 v6, $0xE00;
	v6 =	vld [tilespmem:$0xE0B0]  }
0x36: {  	v9 =	vshll.u32 v10, $0x1;
	v10 =	vld [tilespmem:$0xE0C0];
	v8 =	vmin.u32 v8, $0xE00;
	[tilespmem:$0xE1F0] =	vst v5  }
0x37: {  	v5 =	vor.u32 v0, v9;
	[tilespmem:$0xE1D0] =	vst v3;
	v3 =	vsub.s32 v11, v2;
	v9 =	vld [tilespmem:$0xE130]  }
0x38: {  	[tilespmem:$0xE140] =	vst v5;
	v5 =	vld [tilespmem:$0xE050];
	v3 =	vmin.u32 v3, $0xE00;
	v4 =	vshll.u32 v4, $0x1  }
0x39: {  	v11 =	vld [tilespmem:$0xE080];
	[tilespmem:$0xE200] =	vst v3;
	v3 =	vor.u32 v0, v4;
	v4 =	vsub.s32 v7, v2  }
0x3a: {  	[tilespmem:$0xE1A0] =	vst v3;
	v3 =	vmin.u32 v4, $0xE00;
	v4 =	vshll.u32 v6, $0x1  }
0x3b: {  	v6 =	vsub.s32 v10, v2;
	[tilespmem:$0xE220] =	vst v3;
	v3 =	vor.u32 v0, v4  }
0x3c: {  	v4 =	vmin.u32 v6, $0xE00;
	[tilespmem:$0xE1B0] =	vst v3;
	v3 =	vsub.s32 v9, v2  }
0x3d: {  	v5 =	vshll.u32 v5, $0x1;
	[tilespmem:$0xE1E0] =	vst v8;
	v3 =	vmin.u32 v3, $0xE00  }
0x3e: {  	v5 =	vor.u32 v0, v5;
	v6 =	vshll.u32 v11, $0x1;
	[tilespmem:$0xE230] =	vst v3  }
0x3f: {  	[tilespmem:$0xE150] =	vst v5;
	v3 =	vor.u32 v0, v6  }
0x40: {  	[tilespmem:$0xE180] =	vst v3  }
0x41: {  	[tilespmem:$0xE1C0] =	vst v4  }
0x42: {  	[tilespmem:s16], [sflag:$0x1] =	stream.indirect.gather [hbm4b:s4+s14], $0x80, s15, s14, $0xb8;
	[tilespmem:$0x12240] =	vst v63  }
0x43: {  	_ =	swait.ge [sflag:s17], $0x4000  }
0x44: {  	[sflag:s17] =	ssyncset.done $0x0  }
.Ltmp1:
0x45: {  	[sflag:s17] =	ssyncadd.s32 $0xFFFFC000;
	(pc) =	sbr.rel @p0 .LBB2_5-.Ltmp1, $4  }
0x46: {  	[spmem:s1] =	stream.indirect.scatter.add.f32 [tilespmem:s16], [sflag:$0x2], $0x80, s18, s14, $0xb8;
	[tilespmem:$0x12240] =	vst v63  }
0x47: {  	_ =	swait.ge [sflag:s12], $0x4000  }
0x48: {  	[sflag:s12] =	ssyncset.done $0x0  }
0x49: {  	s24 =	sadd.s32 s24, s10;
	[sflag:s12] =	ssyncadd.s32 $0xFFFFC000  }
0x4a: {  	[tilespmem:s13], [sflag:$0x2] =	stream.linear.gather [hbm4b:s24+s3], $0x100, $0x38;
	[tilespmem:$0x12240] =	vst v63  }
0x4b: {  	_ =	swait.ge [sflag:s12], $0x100  }
0x4c: {  	[sflag:s12] =	ssyncset.done $0x0  }
0x4d: {  	[sflag:s12] =	ssyncadd.s32 $0xFFFFFF00  }
0x4e: {  	v3 =	vld [tilespmem:$0xE090]  }
0x4f: {  	v5 =	vld [tilespmem:$0xE060]  }
0x50: {  	v4 =	vld [tilespmem:$0xE110]  }
0x51: {  	v6 =	vld [tilespmem:$0xE070]  }
0x52: {  	v7 =	vld [tilespmem:$0xE0F0]  }
0x53: {  	v8 =	vld [tilespmem:$0xE0D0];
	v3 =	vshll.u32 v3, $0x1  }
0x54: {  	v9 =	vld [tilespmem:$0xE040];
	v5 =	vshll.u32 v5, $0x1;
	v3 =	vor.u32 v0, v3  }
0x55: {  	v54 =	vld [tilespmem:$0xE0E0];
	v4 =	vsub.s32 v4, v2;
	v46 =	vor.u32 v0, v5;
	[tilespmem:$0xE190] =	vst v3  }
0x56: {  	v10 =	vld [tilespmem:$0xE100];
	v47 =	vshll.u32 v6, $0x1;
	v3 =	vmin.u32 v4, $0xE00;
	[tilespmem:$0xE160] =	vst v46  }
0x57: {  	v49 =	vsub.s32 v7, v2;
	v48 =	vor.u32 v0, v47;
	[tilespmem:$0xE210] =	vst v3;
	v3 =	vld [tilespmem:$0xE0A0]  }
0x58: {  	v50 =	vld [tilespmem:$0xE120];
	v51 =	vsub.s32 v8, v2;
	v52 =	vmin.u32 v49, $0xE00;
	[tilespmem:$0xE170] =	vst v48  }
0x59: {  	v53 =	vld [tilespmem:$0xE0B0];
	v9 =	vshll.u32 v9, $0x1;
	v7 =	vmin.u32 v51, $0xE00;
	[tilespmem:$0xE1F0] =	vst v52  }
0x5a: {  	v58 =	vld [tilespmem:$0xE050];
	v61 =	vsub.s32 v54, v2;
	v55 =	vor.u32 v0, v9;
	[tilespmem:$0xE1D0] =	vst v7  }
0x5b: {  	v57 =	vld [tilespmem:$0xE130];
	v56 =	vsub.s32 v10, v2;
	v62 =	vmin.u32 v61, $0xE00;
	[tilespmem:$0xE140] =	vst v55  }
0x5c: {  	v60 =	vld [tilespmem:$0xE0C0];
	v7 =	vmin.u32 v56, $0xE00;
	[tilespmem:$0xE1E0] =	vst v62;
	v3 =	vshll.u32 v3, $0x1  }
0x5d: {  	v59 =	vld [tilespmem:$0xE080];
	v6 =	vsub.s32 v50, v2;
	[tilespmem:$0xE200] =	vst v7;
	v3 =	vor.u32 v0, v3  }
0x5e: {  	v5 =	vshll.u32 v53, $0x1;
	[tilespmem:$0xE1A0] =	vst v3;
	v3 =	vmin.u32 v6, $0xE00  }
0x5f: {  	v4 =	vshll.u32 v58, $0x1;
	[tilespmem:$0xE220] =	vst v3;
	v3 =	vor.u32 v0, v5  }
0x60: {  	v4 =	vor.u32 v0, v4;
	[tilespmem:$0xE1B0] =	vst v3;
	v3 =	vsub.s32 v57, v2  }
0x61: {  	[tilespmem:$0xE150] =	vst v4;
	v2 =	vsub.s32 v60, v2;
	v3 =	vmin.u32 v3, $0xE00  }
0x62: {  	v63 =	vshll.u32 v59, $0x1;
	v2 =	vmin.u32 v2, $0xE00;
	[tilespmem:$0xE230] =	vst v3  }
0x63: {  	v3 =	vor.u32 v0, v63;
	[tilespmem:$0xE1C0] =	vst v2  }
0x64: {  	[tilespmem:$0xE180] =	vst v3  }
0x65: {  	[tilespmem:s16], [sflag:$0x1] =	stream.indirect.gather [hbm4b:s4+s14], $0x80, s15, s14, $0xb8;
	[tilespmem:$0x12240] =	vst v63  }
0x66: {  	_ =	swait.ge [sflag:s17], $0x4000  }
0x67: {  	[sflag:s17] =	ssyncset.done $0x0  }
0x68: {  	s22 =	sadd.s32 s6, s22;
	[sflag:s17] =	ssyncadd.s32 $0xFFFFC000  }
0x69: {  	[spmem:s1] =	stream.indirect.scatter.add.f32 [tilespmem:s16], [sflag:$0x2], $0x80, s18, s14, $0xb8;
	[tilespmem:$0x12240] =	vst v63  }
0x6a: {  	s22 =	sshll.u32 s22, $0x7;
	_ =	swait.ge [sflag:s12], $0x4000  }
0x6b: {  	s23 =	sshrl.u32 s7, $0x3;
	s22 =	sadd.s32 s8, s22;
	[sflag:s12] =	ssyncset.done $0x0  }
0x6c: {  	s21 =	sadd.s32 $0x1, s21;
	s22 =	sshrl.u32 s22, $0x3;
	[sflag:s12] =	ssyncadd.s32 $0xFFFFC000  }
0x6d: {  	p0 =	sne.s32 s21, $0x3;
	s22 =	sadd.s32 s5, s22;
	[bflag:$0x0] =	sbarrier.arrive $0xFFFF  }
0x6e: {  	[hbm:s22], [sflag:s19] =	dma.local [spmem:s23], $0xE00  }
.Ltmp2:
0x6f: {  	_ =	swait.ge [sflag:s12], $0xE00;
	(pc) =	sbr.rel @p0 .LBB2_4-.Ltmp2, $3  }
0x70: {  	[sflag:s12] =	ssyncset.done $0x0  }
0x71: {  	[sflag:s12] =	ssyncadd.s32 $0xFFFFF200  }
0x72: {  	[bflag:$0x0] =	sbarrier.arrive $0xFFFF;
	_ =	sdelay $0x1  }
0x73: {  	s20 =	sadd.s32 $0x1, s20  }
0x74: {  	p0 =	sne.s32 s20, s9  }
.Ltmp3:
0x75: {  	_ = 	snop;
	(pc) =	sbr.rel @p0 .LBB2_1-.Ltmp3, $1  }
0x76: {  	_ =	sdelay $0x3  }
0x77: {  	_ =	sfence.sel $0x180000  }
0x78: {  	[bflag:$0x0] =	sbarrier.arrive $0xFFFF  }
0x79: {  	p0 =	sne.s32 s2, $0x0;
	_ =	strace $0x9000004A  }
0x7a: {  	s0 =	sadd.s32 @!p0 $0x100000, s0;
	[bflag:$0x2] =	sbarrier.arrive $0xFFFF  }
0x7b: {  	[sflag:s0] =	ssyncadd.tile.s32 @!p0 $0x1;
	_ =	shalt  }
.Lfunc_end2:
_tile_overlayer_lowered:
.L_overlay_start_2:
0x7c: {  	(tag) =	ssettag $0x2  }
0x7d: {  	s0 =	rddreg [dreg:$0x0];
	s2 =	stileid.u32  }
0x7e: {  	s1 =	rddreg [dreg:$0x1];
	p0 =	sne.s32 s2, $0x0  }
0x7f: {  	s3 =	rddreg [dreg:$0x2];
	[bflag:$0x3] =	sbarrier.arrive $0xFFFF;
	s2 =	simm.s32 @!p0 $0x1C02  }
0x80: {  	[timem:s3], [sflag:s2] =	dma.local @!p0 [hbm:s0], s1  }
0x81: {  	s0 =	simm.s32 @!p0 $0x2  }
0x82: {  	_ =	swait.ge @!p0 [sflag:s0], s1  }
0x83: {  	s1 =	ssub.s32 @!p0 $0x0, s1;
	[sflag:s0] =	ssyncset.done @!p0 $0x0  }
0x84: {  	[sflag:s0] =	ssyncadd.s32 @!p0 s1  }
0x85: {  	[bflag:$0x3] =	sbarrier.arrive $0xFFFF  }
0x86: {  	_ =	shalt  }

</sc_bundles>
